<compile_context>
chip_gen: v7x
topology: tpu7x:2x2x1
jax: 0.10.2.dev20260603
libtpu: 0.0.44.dev20260713+nightly
codegen_flags: <defaults>
</compile_context>

<pallas_src>
import functools

import jax
import jax.numpy as jnp
import numpy as np
from jax import lax
from jax.experimental import pallas as pl
from jax.experimental.pallas import tpu as pltpu
from jax.experimental.pallas import tpu_sc as plsc

VOCAB = 1000000
D_MODEL = 64
MAX_LEN = 200
BATCH = 4096

NC = 2
NS = 16
NW = NC * NS
LANES = 16

NB = BATCH // NW
NV = D_MODEL // LANES


def _make_pe(max_len, d_model):
    pos = np.arange(max_len, dtype=np.float64)[:, None]
    i = np.arange(d_model, dtype=np.float64)[None, :]
    angle = pos / np.power(10000.0, 2.0 * i / d_model)
    pe = np.where((np.arange(d_model) % 2 == 0)[None, :], np.cos(angle),
                  np.sin(angle))
    return pe.astype(np.float32).reshape(-1)


_PE = _make_pe(MAX_LEN, D_MODEL)

_mesh = plsc.VectorSubcoreMesh(
    core_axis_name="c", subcore_axis_name="s", num_cores=NC, num_subcores=NS)


@functools.partial(
    pl.kernel,
    out_type=jax.ShapeDtypeStruct((MAX_LEN, BATCH, D_MODEL), jnp.float32),
    mesh=_mesh,
    scratch_types=[
        pltpu.VMEM((NB,), jnp.int32),
        pltpu.VMEM((NB,), jnp.int32),
        pltpu.VMEM((NB, D_MODEL), jnp.float32),
        pltpu.VMEM((NB, D_MODEL), jnp.float32),
        pltpu.VMEM((MAX_LEN * D_MODEL,), jnp.float32),
        pltpu.SemaphoreType.DMA,
        pltpu.SemaphoreType.DMA,
        pltpu.SemaphoreType.DMA,
        pltpu.SemaphoreType.DMA,
        pltpu.SemaphoreType.DMA,
        pltpu.SemaphoreType.DMA,
    ],
    compiler_params=pltpu.CompilerParams(use_tc_tiling_on_sc=False,
                                         needs_layout_passes=False),
)
def _gather_pe_kernel(xtf_hbm, tab_hbm, pe_hbm, out_hbm, idx0, idx1, dstg0,
                      dstg1, pe_v, isem0, isem1, gsem0, gsem1,
                      ssem0, ssem1):
    wid = lax.axis_index("s") * NC + lax.axis_index("c")
    col0 = wid * NB
    idx = [idx0, idx1]
    dstg = [dstg0, dstg1]
    isem = [isem0, isem1]
    gsem = [gsem0, gsem1]
    ssem = [ssem0, ssem1]

    pltpu.sync_copy(pe_hbm, pe_v)

    def idx_views(t, p):
        return (xtf_hbm.at[pl.ds(t * BATCH + col0, NB)], idx[p])

    def gather_views(p):
        return (tab_hbm.at[idx[p]], dstg[p])

    def fire_gather(p):
        src, dv = gather_views(p)
        pltpu.async_copy(src, dv, gsem[p])

    def wait_gather(p):
        src, dv = gather_views(p)
        pltpu.make_async_copy(src, dv, gsem[p]).wait()

    def store_views(t, p):
        return (dstg[p], out_hbm.at[t, pl.ds(col0, NB), :])

    def fire_store(t, p):
        sv, ov = store_views(t, p)
        pltpu.async_copy(sv, ov, ssem[p])

    def wait_store(t, p):
        sv, ov = store_views(t, p)
        pltpu.make_async_copy(sv, ov, ssem[p]).wait()

    sv, dv = idx_views(0, 0)
    pltpu.sync_copy(sv, dv)
    sv, dv = idx_views(1, 1)
    pltpu.async_copy(sv, dv, isem[1])
    fire_gather(0)

    @pl.loop(0, MAX_LEN, step=2)
    def _pair(tp):
        for b in range(2):
            t = tp + b

            @pl.when(t + 1 < MAX_LEN)
            def _():
                sv, dv = idx_views(t + 1, 1 - b)
                pltpu.make_async_copy(sv, dv, isem[1 - b]).wait()

                @pl.when(t >= 1)
                def _():
                    wait_store(t - 1, 1 - b)
                fire_gather(1 - b)

            wait_gather(b)

            @pl.when(t + 2 < MAX_LEN)
            def _():
                sv, dv = idx_views(t + 2, b)
                pltpu.async_copy(sv, dv, isem[b])

            pe_row = [pe_v[pl.ds(t * D_MODEL + v * LANES, LANES)]
                      for v in range(NV)]

            @pl.loop(0, NB, unroll=8)
            def _row(r):
                for v in range(NV):
                    sl = pl.ds(v * LANES, LANES)
                    dstg[b][r, sl] = dstg[b][r, sl] + pe_row[v]

            fire_store(t, b)

    wait_store(MAX_LEN - 2, 0)
    wait_store(MAX_LEN - 1, 1)


def kernel(X, table):
    xtf = X.T.reshape(-1)
    out3 = _gather_pe_kernel(xtf, table, jnp.asarray(_PE))
    return jnp.transpose(out3, (1, 0, 2))

# --- scband reference (transcript-rebuilt; emitter-appended) ---
"""Pipeline reference for scband-positional-encoding-51247549775951 (READ-ONLY COPY).

The authoritative reference and input builder live on the scoring server;
editing this copy changes nothing except your own understanding.
"""

import jax, jax.numpy as jnp
import numpy as np

VOCAB = 1000000
D_MODEL = 64
MAX_LEN = 200
BATCH = 4096


def _make_position_embedding(max_len, d_model):
    # Faithful to the original loop: for even i use cos(pos / 10000**(2*i/d_model)),
    # for odd i use sin(pos / 10000**(2*i/d_model)). Note: uses i directly, not i//2.
    pos = np.arange(max_len, dtype=np.float64)[:, None]          # [max_len, 1]
    i = np.arange(d_model, dtype=np.float64)[None, :]             # [1, d_model]
    angle = pos / np.power(10000.0, 2.0 * i / d_model)            # [max_len, d_model]
    pe = np.where((np.arange(d_model) % 2 == 0)[None, :], np.cos(angle), np.sin(angle))
    return pe[None, :, :].astype(np.float32)         # [1, max_len, d_model] (numpy: mock-tool friendly, numerically identical)


POS_EMB = _make_position_embedding(MAX_LEN, D_MODEL)


def setup_inputs(seed: int = 0) -> dict:
    key = jax.random.key(seed)
    k_idx, k_tab = jax.random.split(key)
    X = jax.random.randint(k_idx, (BATCH, MAX_LEN), 0, VOCAB, dtype=jnp.int64 if jax.config.read('jax_enable_x64') else jnp.int32)
    table = jax.random.normal(k_tab, (VOCAB, D_MODEL), dtype=jnp.float32) * 0.05
    return {"X": X, "table": table}


def reference(X, table):
    # Embedding lookup (keras Embedding == row gather)
    emb = jnp.take(table, X, axis=0)          # [B, max_len, d_model]
    # Add fixed positional encoding (broadcast over batch)
    return emb + POS_EMB

if __name__ == "__main__":
    import jax
    _d = setup_inputs()
    print(jax.jit(kernel)(*tuple(_d.values())))

</pallas_src>

<mosaic_0001>
#map = affine_map<(d0, d1) -> (0)>
#map1 = affine_map<(d0, d1) -> (0, 0)>
#map2 = affine_map<(d0, d1) -> (0, 0, 0)>
module attributes {stable_mosaic.version = 14 : i64} {
  func.func @_gather_pe_kernel(%arg0: i32, %arg1: i32, %arg2: memref<819200xi32, #tpu.memory_space<hbm>>, %arg3: memref<1000000x64xf32, #tpu.memory_space<hbm>>, %arg4: memref<12800xf32, #tpu.memory_space<hbm>>, %arg5: memref<200x4096x64xf32, #tpu.memory_space<hbm>>, %arg6: memref<128xi32, #tpu.memory_space<vmem>>, %arg7: memref<128xi32, #tpu.memory_space<vmem>>, %arg8: memref<128x64xf32, #tpu.memory_space<vmem>>, %arg9: memref<128x64xf32, #tpu.memory_space<vmem>>, %arg10: memref<12800xf32, #tpu.memory_space<vmem>>, %arg11: memref<!tpu.dma_semaphore, #tpu.memory_space<semaphore_mem>>, %arg12: memref<!tpu.dma_semaphore, #tpu.memory_space<semaphore_mem>>, %arg13: memref<!tpu.dma_semaphore, #tpu.memory_space<semaphore_mem>>, %arg14: memref<!tpu.dma_semaphore, #tpu.memory_space<semaphore_mem>>, %arg15: memref<!tpu.dma_semaphore, #tpu.memory_space<semaphore_mem>>, %arg16: memref<!tpu.dma_semaphore, #tpu.memory_space<semaphore_mem>>) attributes {dimension_semantics = [#tpu.dimension_semantics<core_parallel>, #tpu.dimension_semantics<subcore_parallel>], iteration_bounds = array<i64: 2, 16>, scalar_prefetch = 0 : i64, scratch_operands = 11 : i64, tpu.core_type = #tpu.core_type<sc_vector_subcore>, window_params = [{transform_indices = #map}, {transform_indices = #map1}, {transform_indices = #map}, {transform_indices = #map2}]} {
    %mul3A = arith.constant 2 : i32
    %mul3A_0 = arith.muli %arg1, %mul3A : i32
    %add3A = arith.addi %mul3A_0, %arg0 : i32
    %mul3A_1 = arith.constant 128 : i32
    %mul3A_2 = arith.muli %add3A, %mul3A_1 : i32
    "tpu.region"() ({
      %run_scoped3A = tpu.sem_alloc : memref<!tpu.dma_semaphore, #tpu.memory_space<semaphore_mem>>
      tpu.enqueue_dma source(%arg4 : memref<12800xf32, #tpu.memory_space<hbm>>) target(%arg10 : memref<12800xf32, #tpu.memory_space<vmem>>) target_semaphore(%run_scoped3A : memref<!tpu.dma_semaphore, #tpu.memory_space<semaphore_mem>>)
      tpu.wait_dma2 semaphore(%run_scoped3A : memref<!tpu.dma_semaphore, #tpu.memory_space<semaphore_mem>>) src(%arg4 : memref<12800xf32, #tpu.memory_space<hbm>>) dst(%arg10 : memref<12800xf32, #tpu.memory_space<vmem>>)
      tpu.yield
    }) : () -> ()
    %add3A_3 = arith.constant 0 : i32
    %add3A_4 = arith.addi %add3A_3, %mul3A_2 : i32
    "tpu.region"() ({
      %run_scoped3A = tpu.sem_alloc : memref<!tpu.dma_semaphore, #tpu.memory_space<semaphore_mem>>
      %dma_start3A_28 = tpu.memref_slice %arg2[%add3A_4] : memref<819200xi32, #tpu.memory_space<hbm>> -> memref<128xi32, #tpu.memory_space<hbm>>
      %dma_start3A_29 = tpu.memref_slice %arg2[%add3A_4] : memref<819200xi32, #tpu.memory_space<hbm>> -> memref<128xi32, #tpu.memory_space<hbm>>
      tpu.enqueue_dma source(%dma_start3A_29 : memref<128xi32, #tpu.memory_space<hbm>>) target(%arg6 : memref<128xi32, #tpu.memory_space<vmem>>) target_semaphore(%run_scoped3A : memref<!tpu.dma_semaphore, #tpu.memory_space<semaphore_mem>>)
      %dma_wait3A_30 = tpu.memref_slice %arg2[%add3A_4] : memref<819200xi32, #tpu.memory_space<hbm>> -> memref<128xi32, #tpu.memory_space<hbm>>
      %dma_wait3A_31 = tpu.memref_slice %arg2[%add3A_4] : memref<819200xi32, #tpu.memory_space<hbm>> -> memref<128xi32, #tpu.memory_space<hbm>>
      tpu.wait_dma2 semaphore(%run_scoped3A : memref<!tpu.dma_semaphore, #tpu.memory_space<semaphore_mem>>) src(%dma_wait3A_31 : memref<128xi32, #tpu.memory_space<hbm>>) dst(%arg6 : memref<128xi32, #tpu.memory_space<vmem>>)
      tpu.yield
    }) : () -> ()
    %add3A_5 = arith.constant 4096 : i32
    %add3A_6 = arith.addi %add3A_5, %mul3A_2 : i32
    %dma_start3A = tpu.memref_slice %arg2[%add3A_6] : memref<819200xi32, #tpu.memory_space<hbm>> -> memref<128xi32, #tpu.memory_space<hbm>>
    %dma_start3A_7 = tpu.memref_slice %arg2[%add3A_6] : memref<819200xi32, #tpu.memory_space<hbm>> -> memref<128xi32, #tpu.memory_space<hbm>>
    tpu.enqueue_dma source(%dma_start3A_7 : memref<128xi32, #tpu.memory_space<hbm>>) target(%arg7 : memref<128xi32, #tpu.memory_space<vmem>>) target_semaphore(%arg12 : memref<!tpu.dma_semaphore, #tpu.memory_space<semaphore_mem>>)
    %dma_start3A_8 = arith.constant 0 : i32
    %dma_start3A_9 = arith.constant 0 : i32
    %dma_start3A_10 = tpu.memref_slice %arg3[%dma_start3A_8, %dma_start3A_9] : memref<1000000x64xf32, #tpu.memory_space<hbm>> -> memref<1000000x64xf32, #tpu.memory_space<hbm>>
    tpu.enqueue_indirect_dma source(%dma_start3A_10 : memref<1000000x64xf32, #tpu.memory_space<hbm>>) target(%arg8 : memref<128x64xf32, #tpu.memory_space<vmem>>) offsets(%arg6 : memref<128xi32, #tpu.memory_space<vmem>>) semaphore(%arg13 : memref<!tpu.dma_semaphore, #tpu.memory_space<semaphore_mem>>)
    %scan3A = arith.constant 0 : i32
    %scan3A_11 = arith.constant 100 : i32
    %scan3A_12 = arith.addi %scan3A, %scan3A_11 : i32
    %scan3A_13 = arith.constant 1 : i32
    scf.for %scan3A_28 = %scan3A to %scan3A_12 step %scan3A_13  : i32 {
      %mul3A_29 = arith.constant 2 : i32
      %mul3A_30 = arith.muli %scan3A_28, %mul3A_29 : i32
      %add3A_31 = arith.constant 0 : i32
      %add3A_32 = arith.addi %add3A_31, %mul3A_30 : i32
      %add3A_33 = arith.constant 0 : i32
      %add3A_34 = arith.addi %add3A_32, %add3A_33 : i32
      %add3A_35 = arith.constant 1 : i32
      %add3A_36 = arith.addi %add3A_34, %add3A_35 : i32
      %lt3A = arith.constant 200 : i32
      %lt3A_37 = arith.cmpi slt, %add3A_36, %lt3A : i32
      %convert_element_type3A = arith.extui %lt3A_37 : i1 to i32
      %cond3A = arith.constant 0 : i32
      %cond3A_38 = arith.cmpi ne, %convert_element_type3A, %cond3A : i32
      scf.if %cond3A_38 {
        %add3A_137 = arith.constant 1 : i32
        %add3A_138 = arith.addi %add3A_34, %add3A_137 : i32
        %mul3A_139 = arith.constant 4096 : i32
        %mul3A_140 = arith.muli %add3A_138, %mul3A_139 : i32
        %add3A_141 = arith.addi %mul3A_140, %mul3A_2 : i32
        %dma_wait3A_142 = tpu.memref_slice %arg2[%add3A_141] : memref<819200xi32, #tpu.memory_space<hbm>> -> memref<128xi32, #tpu.memory_space<hbm>>
        %dma_wait3A_143 = tpu.memref_slice %arg2[%add3A_141] : memref<819200xi32, #tpu.memory_space<hbm>> -> memref<128xi32, #tpu.memory_space<hbm>>
        tpu.wait_dma2 semaphore(%arg12 : memref<!tpu.dma_semaphore, #tpu.memory_space<semaphore_mem>>) src(%dma_wait3A_143 : memref<128xi32, #tpu.memory_space<hbm>>) dst(%arg7 : memref<128xi32, #tpu.memory_space<vmem>>)
        %ge3A = arith.constant 1 : i32
        %ge3A_144 = arith.cmpi sge, %add3A_34, %ge3A : i32
        %convert_element_type3A_145 = arith.extui %ge3A_144 : i1 to i32
        %cond3A_146 = arith.constant 0 : i32
        %cond3A_147 = arith.cmpi ne, %convert_element_type3A_145, %cond3A_146 : i32
        scf.if %cond3A_147 {
          %sub3A = arith.constant 1 : i32
          %sub3A_151 = arith.subi %add3A_34, %sub3A : i32
          %dma_wait3A_152 = arith.constant 0 : i32
          %dma_wait3A_153 = tpu.memref_slice %arg5[%sub3A_151, %mul3A_2, %dma_wait3A_152] : memref<200x4096x64xf32, #tpu.memory_space<hbm>> -> memref<1x128x64xf32, #tpu.memory_space<hbm>>
          %dma_wait3A_154 = tpu.memref_squeeze %dma_wait3A_153 : memref<1x128x64xf32, #tpu.memory_space<hbm>> -> memref<128x64xf32, #tpu.memory_space<hbm>>
          %dma_wait3A_155 = arith.constant 0 : i32
          %dma_wait3A_156 = tpu.memref_slice %arg5[%sub3A_151, %mul3A_2, %dma_wait3A_155] : memref<200x4096x64xf32, #tpu.memory_space<hbm>> -> memref<1x128x64xf32, #tpu.memory_space<hbm>>
          %dma_wait3A_157 = tpu.memref_squeeze %dma_wait3A_156 : memref<1x128x64xf32, #tpu.memory_space<hbm>> -> memref<128x64xf32, #tpu.memory_space<hbm>>
          tpu.wait_dma2 semaphore(%arg16 : memref<!tpu.dma_semaphore, #tpu.memory_space<semaphore_mem>>) src(%arg9 : memref<128x64xf32, #tpu.memory_space<vmem>>) dst(%dma_wait3A_157 : memref<128x64xf32, #tpu.memory_space<hbm>>)
        } else {
        }
        %dma_start3A_148 = arith.constant 0 : i32
        %dma_start3A_149 = arith.constant 0 : i32
        %dma_start3A_150 = tpu.memref_slice %arg3[%dma_start3A_148, %dma_start3A_149] : memref<1000000x64xf32, #tpu.memory_space<hbm>> -> memref<1000000x64xf32, #tpu.memory_space<hbm>>
        tpu.enqueue_indirect_dma source(%dma_start3A_150 : memref<1000000x64xf32, #tpu.memory_space<hbm>>) target(%arg9 : memref<128x64xf32, #tpu.memory_space<vmem>>) offsets(%arg7 : memref<128xi32, #tpu.memory_space<vmem>>) semaphore(%arg14 : memref<!tpu.dma_semaphore, #tpu.memory_space<semaphore_mem>>)
      } else {
      }
      %dma_wait3A_39 = arith.constant 0 : i32
      %dma_wait3A_40 = arith.constant 0 : i32
      %dma_wait3A_41 = tpu.memref_slice %arg3[%dma_wait3A_39, %dma_wait3A_40] : memref<1000000x64xf32, #tpu.memory_space<hbm>> -> memref<1000000x64xf32, #tpu.memory_space<hbm>>
      tpu.wait_indirect_dma semaphore(%arg13 : memref<!tpu.dma_semaphore, #tpu.memory_space<semaphore_mem>>) src(%dma_wait3A_41 : memref<1000000x64xf32, #tpu.memory_space<hbm>>) dst(%arg8 : memref<128x64xf32, #tpu.memory_space<vmem>>)
      %add3A_42 = arith.constant 2 : i32
      %add3A_43 = arith.addi %add3A_34, %add3A_42 : i32
      %lt3A_44 = arith.constant 200 : i32
      %lt3A_45 = arith.cmpi slt, %add3A_43, %lt3A_44 : i32
      %convert_element_type3A_46 = arith.extui %lt3A_45 : i1 to i32
      %cond3A_47 = arith.constant 0 : i32
      %cond3A_48 = arith.cmpi ne, %convert_element_type3A_46, %cond3A_47 : i32
      scf.if %cond3A_48 {
        %add3A_137 = arith.constant 2 : i32
        %add3A_138 = arith.addi %add3A_34, %add3A_137 : i32
        %mul3A_139 = arith.constant 4096 : i32
        %mul3A_140 = arith.muli %add3A_138, %mul3A_139 : i32
        %add3A_141 = arith.addi %mul3A_140, %mul3A_2 : i32
        %dma_start3A_142 = tpu.memref_slice %arg2[%add3A_141] : memref<819200xi32, #tpu.memory_space<hbm>> -> memref<128xi32, #tpu.memory_space<hbm>>
        %dma_start3A_143 = tpu.memref_slice %arg2[%add3A_141] : memref<819200xi32, #tpu.memory_space<hbm>> -> memref<128xi32, #tpu.memory_space<hbm>>
        tpu.enqueue_dma source(%dma_start3A_143 : memref<128xi32, #tpu.memory_space<hbm>>) target(%arg6 : memref<128xi32, #tpu.memory_space<vmem>>) target_semaphore(%arg11 : memref<!tpu.dma_semaphore, #tpu.memory_space<semaphore_mem>>)
      } else {
      }
      %mul3A_49 = arith.constant 64 : i32
      %mul3A_50 = arith.muli %add3A_34, %mul3A_49 : i32
      %add3A_51 = arith.constant 0 : i32
      %add3A_52 = arith.addi %mul3A_50, %add3A_51 : i32
      %get3A = arith.index_cast %add3A_52 : i32 to index
      %get3A_53 = tpu.vector_load %arg10[%get3A] {strides = array<i32>} : memref<12800xf32, #tpu.memory_space<vmem>>, vector<16xf32>,
      %mul3A_54 = arith.constant 64 : i32
      %mul3A_55 = arith.muli %add3A_34, %mul3A_54 : i32
      %add3A_56 = arith.constant 16 : i32
      %add3A_57 = arith.addi %mul3A_55, %add3A_56 : i32
      %get3A_58 = arith.index_cast %add3A_57 : i32 to index
      %get3A_59 = tpu.vector_load %arg10[%get3A_58] {strides = array<i32>} : memref<12800xf32, #tpu.memory_space<vmem>>, vector<16xf32>,
      %mul3A_60 = arith.constant 64 : i32
      %mul3A_61 = arith.muli %add3A_34, %mul3A_60 : i32
      %add3A_62 = arith.constant 32 : i32
      %add3A_63 = arith.addi %mul3A_61, %add3A_62 : i32
      %get3A_64 = arith.index_cast %add3A_63 : i32 to index
      %get3A_65 = tpu.vector_load %arg10[%get3A_64] {strides = array<i32>} : memref<12800xf32, #tpu.memory_space<vmem>>, vector<16xf32>,
      %mul3A_66 = arith.constant 64 : i32
      %mul3A_67 = arith.muli %add3A_34, %mul3A_66 : i32
      %add3A_68 = arith.constant 48 : i32
      %add3A_69 = arith.addi %mul3A_67, %add3A_68 : i32
      %get3A_70 = arith.index_cast %add3A_69 : i32 to index
      %get3A_71 = tpu.vector_load %arg10[%get3A_70] {strides = array<i32>} : memref<12800xf32, #tpu.memory_space<vmem>>, vector<16xf32>,
      %scan3A_72 = arith.constant 0 : i32
      %scan3A_73 = arith.constant 128 : i32
      %scan3A_74 = arith.addi %scan3A_72, %scan3A_73 : i32
      %scan3A_75 = arith.constant 8 : i32
      scf.for %scan3A_137 = %scan3A_72 to %scan3A_74 step %scan3A_75  : i32 {
        %mul3A_138 = arith.constant 1 : i32
        %mul3A_139 = arith.muli %scan3A_137, %mul3A_138 : i32
        %add3A_140 = arith.constant 0 : i32
        %add3A_141 = arith.addi %add3A_140, %mul3A_139 : i32
        %get3A_142 = arith.index_cast %add3A_141 : i32 to index
        %get3A_143 = arith.constant 0 : index
        %get3A_144 = tpu.vector_load %arg8[%get3A_142, %get3A_143] {strides = array<i32>} : memref<128x64xf32, #tpu.memory_space<vmem>>, vector<16xf32>,
        %add3A_145 = arith.addf %get3A_144, %get3A_53 : vector<16xf32>
        %swap3A = arith.index_cast %add3A_141 : i32 to index
        %swap3A_146 = arith.constant 0 : index
        %swap3A_147 = tpu.vector_load %arg8[%swap3A, %swap3A_146] {strides = array<i32>} : memref<128x64xf32, #tpu.memory_space<vmem>>, vector<16xf32>,
        tpu.vector_store %arg8[%swap3A, %swap3A_146], %add3A_145 {strides = array<i32>} : memref<128x64xf32, #tpu.memory_space<vmem>>, vector<16xf32>,
        %get3A_148 = arith.index_cast %add3A_141 : i32 to index
        %get3A_149 = arith.constant 16 : index
        %get3A_150 = tpu.vector_load %arg8[%get3A_148, %get3A_149] {strides = array<i32>} : memref<128x64xf32, #tpu.memory_space<vmem>>, vector<16xf32>,
        %add3A_151 = arith.addf %get3A_150, %get3A_59 : vector<16xf32>
        %swap3A_152 = arith.index_cast %add3A_141 : i32 to index
        %swap3A_153 = arith.constant 16 : index
        %swap3A_154 = tpu.vector_load %arg8[%swap3A_152, %swap3A_153] {strides = array<i32>} : memref<128x64xf32, #tpu.memory_space<vmem>>, vector<16xf32>,
        tpu.vector_store %arg8[%swap3A_152, %swap3A_153], %add3A_151 {strides = array<i32>} : memref<128x64xf32, #tpu.memory_space<vmem>>, vector<16xf32>,
        %get3A_155 = arith.index_cast %add3A_141 : i32 to index
        %get3A_156 = arith.constant 32 : index
        %get3A_157 = tpu.vector_load %arg8[%get3A_155, %get3A_156] {strides = array<i32>} : memref<128x64xf32, #tpu.memory_space<vmem>>, vector<16xf32>,
        %add3A_158 = arith.addf %get3A_157, %get3A_65 : vector<16xf32>
        %swap3A_159 = arith.index_cast %add3A_141 : i32 to index
        %swap3A_160 = arith.constant 32 : index
        %swap3A_161 = tpu.vector_load %arg8[%swap3A_159, %swap3A_160] {strides = array<i32>} : memref<128x64xf32, #tpu.memory_space<vmem>>, vector<16xf32>,
        tpu.vector_store %arg8[%swap3A_159, %swap3A_160], %add3A_158 {strides = array<i32>} : memref<128x64xf32, #tpu.memory_space<vmem>>, vector<16xf32>,
        %get3A_162 = arith.index_cast %add3A_141 : i32 to index
        %get3A_163 = arith.constant 48 : index
        %get3A_164 = tpu.vector_load %arg8[%get3A_162, %get3A_163] {strides = array<i32>} : memref<128x64xf32, #tpu.memory_space<vmem>>, vector<16xf32>,
        %add3A_165 = arith.addf %get3A_164, %get3A_71 : vector<16xf32>
        %swap3A_166 = arith.index_cast %add3A_141 : i32 to index
        %swap3A_167 = arith.constant 48 : index
        %swap3A_168 = tpu.vector_load %arg8[%swap3A_166, %swap3A_167] {strides = array<i32>} : memref<128x64xf32, #tpu.memory_space<vmem>>, vector<16xf32>,
        tpu.vector_store %arg8[%swap3A_166, %swap3A_167], %add3A_165 {strides = array<i32>} : memref<128x64xf32, #tpu.memory_space<vmem>>, vector<16xf32>,
        %scan3A_169 = arith.constant 1 : i32
        %scan3A_170 = arith.addi %scan3A_137, %scan3A_169 : i32
        %mul3A_171 = arith.constant 1 : i32
        %mul3A_172 = arith.muli %scan3A_170, %mul3A_171 : i32
        %add3A_173 = arith.constant 0 : i32
        %add3A_174 = arith.addi %add3A_173, %mul3A_172 : i32
        %get3A_175 = arith.index_cast %add3A_174 : i32 to index
        %get3A_176 = arith.constant 0 : index
        %get3A_177 = tpu.vector_load %arg8[%get3A_175, %get3A_176] {strides = array<i32>} : memref<128x64xf32, #tpu.memory_space<vmem>>, vector<16xf32>,
        %add3A_178 = arith.addf %get3A_177, %get3A_53 : vector<16xf32>
        %swap3A_179 = arith.index_cast %add3A_174 : i32 to index
        %swap3A_180 = arith.constant 0 : index
        %swap3A_181 = tpu.vector_load %arg8[%swap3A_179, %swap3A_180] {strides = array<i32>} : memref<128x64xf32, #tpu.memory_space<vmem>>, vector<16xf32>,
        tpu.vector_store %arg8[%swap3A_179, %swap3A_180], %add3A_178 {strides = array<i32>} : memref<128x64xf32, #tpu.memory_space<vmem>>, vector<16xf32>,
        %get3A_182 = arith.index_cast %add3A_174 : i32 to index
        %get3A_183 = arith.constant 16 : index
        %get3A_184 = tpu.vector_load %arg8[%get3A_182, %get3A_183] {strides = array<i32>} : memref<128x64xf32, #tpu.memory_space<vmem>>, vector<16xf32>,
        %add3A_185 = arith.addf %get3A_184, %get3A_59 : vector<16xf32>
        %swap3A_186 = arith.index_cast %add3A_174 : i32 to index
        %swap3A_187 = arith.constant 16 : index
        %swap3A_188 = tpu.vector_load %arg8[%swap3A_186, %swap3A_187] {strides = array<i32>} : memref<128x64xf32, #tpu.memory_space<vmem>>, vector<16xf32>,
        tpu.vector_store %arg8[%swap3A_186, %swap3A_187], %add3A_185 {strides = array<i32>} : memref<128x64xf32, #tpu.memory_space<vmem>>, vector<16xf32>,
        %get3A_189 = arith.index_cast %add3A_174 : i32 to index
        %get3A_190 = arith.constant 32 : index
        %get3A_191 = tpu.vector_load %arg8[%get3A_189, %get3A_190] {strides = array<i32>} : memref<128x64xf32, #tpu.memory_space<vmem>>, vector<16xf32>,
        %add3A_192 = arith.addf %get3A_191, %get3A_65 : vector<16xf32>
        %swap3A_193 = arith.index_cast %add3A_174 : i32 to index
        %swap3A_194 = arith.constant 32 : index
        %swap3A_195 = tpu.vector_load %arg8[%swap3A_193, %swap3A_194] {strides = array<i32>} : memref<128x64xf32, #tpu.memory_space<vmem>>, vector<16xf32>,
        tpu.vector_store %arg8[%swap3A_193, %swap3A_194], %add3A_192 {strides = array<i32>} : memref<128x64xf32, #tpu.memory_space<vmem>>, vector<16xf32>,
        %get3A_196 = arith.index_cast %add3A_174 : i32 to index
        %get3A_197 = arith.constant 48 : index
        %get3A_198 = tpu.vector_load %arg8[%get3A_196, %get3A_197] {strides = array<i32>} : memref<128x64xf32, #tpu.memory_space<vmem>>, vector<16xf32>,
        %add3A_199 = arith.addf %get3A_198, %get3A_71 : vector<16xf32>
        %swap3A_200 = arith.index_cast %add3A_174 : i32 to index
        %swap3A_201 = arith.constant 48 : index
        %swap3A_202 = tpu.vector_load %arg8[%swap3A_200, %swap3A_201] {strides = array<i32>} : memref<128x64xf32, #tpu.memory_space<vmem>>, vector<16xf32>,
        tpu.vector_store %arg8[%swap3A_200, %swap3A_201], %add3A_199 {strides = array<i32>} : memref<128x64xf32, #tpu.memory_space<vmem>>, vector<16xf32>,
        %scan3A_203 = arith.constant 2 : i32
        %scan3A_204 = arith.addi %scan3A_137, %scan3A_203 : i32
        %mul3A_205 = arith.constant 1 : i32
        %mul3A_206 = arith.muli %scan3A_204, %mul3A_205 : i32
        %add3A_207 = arith.constant 0 : i32
        %add3A_208 = arith.addi %add3A_207, %mul3A_206 : i32
        %get3A_209 = arith.index_cast %add3A_208 : i32 to index
        %get3A_210 = arith.constant 0 : index
        %get3A_211 = tpu.vector_load %arg8[%get3A_209, %get3A_210] {strides = array<i32>} : memref<128x64xf32, #tpu.memory_space<vmem>>, vector<16xf32>,
        %add3A_212 = arith.addf %get3A_211, %get3A_53 : vector<16xf32>
        %swap3A_213 = arith.index_cast %add3A_208 : i32 to index
        %swap3A_214 = arith.constant 0 : index
        %swap3A_215 = tpu.vector_load %arg8[%swap3A_213, %swap3A_214] {strides = array<i32>} : memref<128x64xf32, #tpu.memory_space<vmem>>, vector<16xf32>,
        tpu.vector_store %arg8[%swap3A_213, %swap3A_214], %add3A_212 {strides = array<i32>} : memref<128x64xf32, #tpu.memory_space<vmem>>, vector<16xf32>,
        %get3A_216 = arith.index_cast %add3A_208 : i32 to index
        %get3A_217 = arith.constant 16 : index
        %get3A_218 = tpu.vector_load %arg8[%get3A_216, %get3A_217] {strides = array<i32>} : memref<128x64xf32, #tpu.memory_space<vmem>>, vector<16xf32>,
        %add3A_219 = arith.addf %get3A_218, %get3A_59 : vector<16xf32>
        %swap3A_220 = arith.index_cast %add3A_208 : i32 to index
        %swap3A_221 = arith.constant 16 : index
        %swap3A_222 = tpu.vector_load %arg8[%swap3A_220, %swap3A_221] {strides = array<i32>} : memref<128x64xf32, #tpu.memory_space<vmem>>, vector<16xf32>,
        tpu.vector_store %arg8[%swap3A_220, %swap3A_221], %add3A_219 {strides = array<i32>} : memref<128x64xf32, #tpu.memory_space<vmem>>, vector<16xf32>,
        %get3A_223 = arith.index_cast %add3A_208 : i32 to index
        %get3A_224 = arith.constant 32 : index
        %get3A_225 = tpu.vector_load %arg8[%get3A_223, %get3A_224] {strides = array<i32>} : memref<128x64xf32, #tpu.memory_space<vmem>>, vector<16xf32>,
        %add3A_226 = arith.addf %get3A_225, %get3A_65 : vector<16xf32>
        %swap3A_227 = arith.index_cast %add3A_208 : i32 to index
        %swap3A_228 = arith.constant 32 : index
        %swap3A_229 = tpu.vector_load %arg8[%swap3A_227, %swap3A_228] {strides = array<i32>} : memref<128x64xf32, #tpu.memory_space<vmem>>, vector<16xf32>,
        tpu.vector_store %arg8[%swap3A_227, %swap3A_228], %add3A_226 {strides = array<i32>} : memref<128x64xf32, #tpu.memory_space<vmem>>, vector<16xf32>,
        %get3A_230 = arith.index_cast %add3A_208 : i32 to index
        %get3A_231 = arith.constant 48 : index
        %get3A_232 = tpu.vector_load %arg8[%get3A_230, %get3A_231] {strides = array<i32>} : memref<128x64xf32, #tpu.memory_space<vmem>>, vector<16xf32>,
        %add3A_233 = arith.addf %get3A_232, %get3A_71 : vector<16xf32>
        %swap3A_234 = arith.index_cast %add3A_208 : i32 to index
        %swap3A_235 = arith.constant 48 : index
        %swap3A_236 = tpu.vector_load %arg8[%swap3A_234, %swap3A_235] {strides = array<i32>} : memref<128x64xf32, #tpu.memory_space<vmem>>, vector<16xf32>,
        tpu.vector_store %arg8[%swap3A_234, %swap3A_235], %add3A_233 {strides = array<i32>} : memref<128x64xf32, #tpu.memory_space<vmem>>, vector<16xf32>,
        %scan3A_237 = arith.constant 3 : i32
        %scan3A_238 = arith.addi %scan3A_137, %scan3A_237 : i32
        %mul3A_239 = arith.constant 1 : i32
        %mul3A_240 = arith.muli %scan3A_238, %mul3A_239 : i32
        %add3A_241 = arith.constant 0 : i32
        %add3A_242 = arith.addi %add3A_241, %mul3A_240 : i32
        %get3A_243 = arith.index_cast %add3A_242 : i32 to index
        %get3A_244 = arith.constant 0 : index
        %get3A_245 = tpu.vector_load %arg8[%get3A_243, %get3A_244] {strides = array<i32>} : memref<128x64xf32, #tpu.memory_space<vmem>>, vector<16xf32>,
        %add3A_246 = arith.addf %get3A_245, %get3A_53 : vector<16xf32>
        %swap3A_247 = arith.index_cast %add3A_242 : i32 to index
        %swap3A_248 = arith.constant 0 : index
        %swap3A_249 = tpu.vector_load %arg8[%swap3A_247, %swap3A_248] {strides = array<i32>} : memref<128x64xf32, #tpu.memory_space<vmem>>, vector<16xf32>,
        tpu.vector_store %arg8[%swap3A_247, %swap3A_248], %add3A_246 {strides = array<i32>} : memref<128x64xf32, #tpu.memory_space<vmem>>, vector<16xf32>,
        %get3A_250 = arith.index_cast %add3A_242 : i32 to index
        %get3A_251 = arith.constant 16 : index
        %get3A_252 = tpu.vector_load %arg8[%get3A_250, %get3A_251] {strides = array<i32>} : memref<128x64xf32, #tpu.memory_space<vmem>>, vector<16xf32>,
        %add3A_253 = arith.addf %get3A_252, %get3A_59 : vector<16xf32>
        %swap3A_254 = arith.index_cast %add3A_242 : i32 to index
        %swap3A_255 = arith.constant 16 : index
        %swap3A_256 = tpu.vector_load %arg8[%swap3A_254, %swap3A_255] {strides = array<i32>} : memref<128x64xf32, #tpu.memory_space<vmem>>, vector<16xf32>,
        tpu.vector_store %arg8[%swap3A_254, %swap3A_255], %add3A_253 {strides = array<i32>} : memref<128x64xf32, #tpu.memory_space<vmem>>, vector<16xf32>,
        %get3A_257 = arith.index_cast %add3A_242 : i32 to index
        %get3A_258 = arith.constant 32 : index
        %get3A_259 = tpu.vector_load %arg8[%get3A_257, %get3A_258] {strides = array<i32>} : memref<128x64xf32, #tpu.memory_space<vmem>>, vector<16xf32>,
        %add3A_260 = arith.addf %get3A_259, %get3A_65 : vector<16xf32>
        %swap3A_261 = arith.index_cast %add3A_242 : i32 to index
        %swap3A_262 = arith.constant 32 : index
        %swap3A_263 = tpu.vector_load %arg8[%swap3A_261, %swap3A_262] {strides = array<i32>} : memref<128x64xf32, #tpu.memory_space<vmem>>, vector<16xf32>,
        tpu.vector_store %arg8[%swap3A_261, %swap3A_262], %add3A_260 {strides = array<i32>} : memref<128x64xf32, #tpu.memory_space<vmem>>, vector<16xf32>,
        %get3A_264 = arith.index_cast %add3A_242 : i32 to index
        %get3A_265 = arith.constant 48 : index
        %get3A_266 = tpu.vector_load %arg8[%get3A_264, %get3A_265] {strides = array<i32>} : memref<128x64xf32, #tpu.memory_space<vmem>>, vector<16xf32>,
        %add3A_267 = arith.addf %get3A_266, %get3A_71 : vector<16xf32>
        %swap3A_268 = arith.index_cast %add3A_242 : i32 to index
        %swap3A_269 = arith.constant 48 : index
        %swap3A_270 = tpu.vector_load %arg8[%swap3A_268, %swap3A_269] {strides = array<i32>} : memref<128x64xf32, #tpu.memory_space<vmem>>, vector<16xf32>,
        tpu.vector_store %arg8[%swap3A_268, %swap3A_269], %add3A_267 {strides = array<i32>} : memref<128x64xf32, #tpu.memory_space<vmem>>, vector<16xf32>,
        %scan3A_271 = arith.constant 4 : i32
        %scan3A_272 = arith.addi %scan3A_137, %scan3A_271 : i32
        %mul3A_273 = arith.constant 1 : i32
        %mul3A_274 = arith.muli %scan3A_272, %mul3A_273 : i32
        %add3A_275 = arith.constant 0 : i32
        %add3A_276 = arith.addi %add3A_275, %mul3A_274 : i32
        %get3A_277 = arith.index_cast %add3A_276 : i32 to index
        %get3A_278 = arith.constant 0 : index
        %get3A_279 = tpu.vector_load %arg8[%get3A_277, %get3A_278] {strides = array<i32>} : memref<128x64xf32, #tpu.memory_space<vmem>>, vector<16xf32>,
        %add3A_280 = arith.addf %get3A_279, %get3A_53 : vector<16xf32>
        %swap3A_281 = arith.index_cast %add3A_276 : i32 to index
        %swap3A_282 = arith.constant 0 : index
        %swap3A_283 = tpu.vector_load %arg8[%swap3A_281, %swap3A_282] {strides = array<i32>} : memref<128x64xf32, #tpu.memory_space<vmem>>, vector<16xf32>,
        tpu.vector_store %arg8[%swap3A_281, %swap3A_282], %add3A_280 {strides = array<i32>} : memref<128x64xf32, #tpu.memory_space<vmem>>, vector<16xf32>,
        %get3A_284 = arith.index_cast %add3A_276 : i32 to index
        %get3A_285 = arith.constant 16 : index
        %get3A_286 = tpu.vector_load %arg8[%get3A_284, %get3A_285] {strides = array<i32>} : memref<128x64xf32, #tpu.memory_space<vmem>>, vector<16xf32>,
        %add3A_287 = arith.addf %get3A_286, %get3A_59 : vector<16xf32>
        %swap3A_288 = arith.index_cast %add3A_276 : i32 to index
        %swap3A_289 = arith.constant 16 : index
        %swap3A_290 = tpu.vector_load %arg8[%swap3A_288, %swap3A_289] {strides = array<i32>} : memref<128x64xf32, #tpu.memory_space<vmem>>, vector<16xf32>,
        tpu.vector_store %arg8[%swap3A_288, %swap3A_289], %add3A_287 {strides = array<i32>} : memref<128x64xf32, #tpu.memory_space<vmem>>, vector<16xf32>,
        %get3A_291 = arith.index_cast %add3A_276 : i32 to index
        %get3A_292 = arith.constant 32 : index
        %get3A_293 = tpu.vector_load %arg8[%get3A_291, %get3A_292] {strides = array<i32>} : memref<128x64xf32, #tpu.memory_space<vmem>>, vector<16xf32>,
        %add3A_294 = arith.addf %get3A_293, %get3A_65 : vector<16xf32>
        %swap3A_295 = arith.index_cast %add3A_276 : i32 to index
        %swap3A_296 = arith.constant 32 : index
        %swap3A_297 = tpu.vector_load %arg8[%swap3A_295, %swap3A_296] {strides = array<i32>} : memref<128x64xf32, #tpu.memory_space<vmem>>, vector<16xf32>,
        tpu.vector_store %arg8[%swap3A_295, %swap3A_296], %add3A_294 {strides = array<i32>} : memref<128x64xf32, #tpu.memory_space<vmem>>, vector<16xf32>,
        %get3A_298 = arith.index_cast %add3A_276 : i32 to index
        %get3A_299 = arith.constant 48 : index
        %get3A_300 = tpu.vector_load %arg8[%get3A_298, %get3A_299] {strides = array<i32>} : memref<128x64xf32, #tpu.memory_space<vmem>>, vector<16xf32>,
        %add3A_301 = arith.addf %get3A_300, %get3A_71 : vector<16xf32>
        %swap3A_302 = arith.index_cast %add3A_276 : i32 to index
        %swap3A_303 = arith.constant 48 : index
        %swap3A_304 = tpu.vector_load %arg8[%swap3A_302, %swap3A_303] {strides = array<i32>} : memref<128x64xf32, #tpu.memory_space<vmem>>, vector<16xf32>,
        tpu.vector_store %arg8[%swap3A_302, %swap3A_303], %add3A_301 {strides = array<i32>} : memref<128x64xf32, #tpu.memory_space<vmem>>, vector<16xf32>,
        %scan3A_305 = arith.constant 5 : i32
        %scan3A_306 = arith.addi %scan3A_137, %scan3A_305 : i32
        %mul3A_307 = arith.constant 1 : i32
        %mul3A_308 = arith.muli %scan3A_306, %mul3A_307 : i32
        %add3A_309 = arith.constant 0 : i32
        %add3A_310 = arith.addi %add3A_309, %mul3A_308 : i32
        %get3A_311 = arith.index_cast %add3A_310 : i32 to index
        %get3A_312 = arith.constant 0 : index
        %get3A_313 = tpu.vector_load %arg8[%get3A_311, %get3A_312] {strides = array<i32>} : memref<128x64xf32, #tpu.memory_space<vmem>>, vector<16xf32>,
        %add3A_314 = arith.addf %get3A_313, %get3A_53 : vector<16xf32>
        %swap3A_315 = arith.index_cast %add3A_310 : i32 to index
        %swap3A_316 = arith.constant 0 : index
        %swap3A_317 = tpu.vector_load %arg8[%swap3A_315, %swap3A_316] {strides = array<i32>} : memref<128x64xf32, #tpu.memory_space<vmem>>, vector<16xf32>,
        tpu.vector_store %arg8[%swap3A_315, %swap3A_316], %add3A_314 {strides = array<i32>} : memref<128x64xf32, #tpu.memory_space<vmem>>, vector<16xf32>,
        %get3A_318 = arith.index_cast %add3A_310 : i32 to index
        %get3A_319 = arith.constant 16 : index
        %get3A_320 = tpu.vector_load %arg8[%get3A_318, %get3A_319] {strides = array<i32>} : memref<128x64xf32, #tpu.memory_space<vmem>>, vector<16xf32>,
        %add3A_321 = arith.addf %get3A_320, %get3A_59 : vector<16xf32>
        %swap3A_322 = arith.index_cast %add3A_310 : i32 to index
        %swap3A_323 = arith.constant 16 : index
        %swap3A_324 = tpu.vector_load %arg8[%swap3A_322, %swap3A_323] {strides = array<i32>} : memref<128x64xf32, #tpu.memory_space<vmem>>, vector<16xf32>,
        tpu.vector_store %arg8[%swap3A_322, %swap3A_323], %add3A_321 {strides = array<i32>} : memref<128x64xf32, #tpu.memory_space<vmem>>, vector<16xf32>,
        %get3A_325 = arith.index_cast %add3A_310 : i32 to index
        %get3A_326 = arith.constant 32 : index
        %get3A_327 = tpu.vector_load %arg8[%get3A_325, %get3A_326] {strides = array<i32>} : memref<128x64xf32, #tpu.memory_space<vmem>>, vector<16xf32>,
        %add3A_328 = arith.addf %get3A_327, %get3A_65 : vector<16xf32>
        %swap3A_329 = arith.index_cast %add3A_310 : i32 to index
        %swap3A_330 = arith.constant 32 : index
        %swap3A_331 = tpu.vector_load %arg8[%swap3A_329, %swap3A_330] {strides = array<i32>} : memref<128x64xf32, #tpu.memory_space<vmem>>, vector<16xf32>,
        tpu.vector_store %arg8[%swap3A_329, %swap3A_330], %add3A_328 {strides = array<i32>} : memref<128x64xf32, #tpu.memory_space<vmem>>, vector<16xf32>,
        %get3A_332 = arith.index_cast %add3A_310 : i32 to index
        %get3A_333 = arith.constant 48 : index
        %get3A_334 = tpu.vector_load %arg8[%get3A_332, %get3A_333] {strides = array<i32>} : memref<128x64xf32, #tpu.memory_space<vmem>>, vector<16xf32>,
        %add3A_335 = arith.addf %get3A_334, %get3A_71 : vector<16xf32>
        %swap3A_336 = arith.index_cast %add3A_310 : i32 to index
        %swap3A_337 = arith.constant 48 : index
        %swap3A_338 = tpu.vector_load %arg8[%swap3A_336, %swap3A_337] {strides = array<i32>} : memref<128x64xf32, #tpu.memory_space<vmem>>, vector<16xf32>,
        tpu.vector_store %arg8[%swap3A_336, %swap3A_337], %add3A_335 {strides = array<i32>} : memref<128x64xf32, #tpu.memory_space<vmem>>, vector<16xf32>,
        %scan3A_339 = arith.constant 6 : i32
        %scan3A_340 = arith.addi %scan3A_137, %scan3A_339 : i32
        %mul3A_341 = arith.constant 1 : i32
        %mul3A_342 = arith.muli %scan3A_340, %mul3A_341 : i32
        %add3A_343 = arith.constant 0 : i32
        %add3A_344 = arith.addi %add3A_343, %mul3A_342 : i32
        %get3A_345 = arith.index_cast %add3A_344 : i32 to index
        %get3A_346 = arith.constant 0 : index
        %get3A_347 = tpu.vector_load %arg8[%get3A_345, %get3A_346] {strides = array<i32>} : memref<128x64xf32, #tpu.memory_space<vmem>>, vector<16xf32>,
        %add3A_348 = arith.addf %get3A_347, %get3A_53 : vector<16xf32>
        %swap3A_349 = arith.index_cast %add3A_344 : i32 to index
        %swap3A_350 = arith.constant 0 : index
        %swap3A_351 = tpu.vector_load %arg8[%swap3A_349, %swap3A_350] {strides = array<i32>} : memref<128x64xf32, #tpu.memory_space<vmem>>, vector<16xf32>,
        tpu.vector_store %arg8[%swap3A_349, %swap3A_350], %add3A_348 {strides = array<i32>} : memref<128x64xf32, #tpu.memory_space<vmem>>, vector<16xf32>,
        %get3A_352 = arith.index_cast %add3A_344 : i32 to index
        %get3A_353 = arith.constant 16 : index
        %get3A_354 = tpu.vector_load %arg8[%get3A_352, %get3A_353] {strides = array<i32>} : memref<128x64xf32, #tpu.memory_space<vmem>>, vector<16xf32>,
        %add3A_355 = arith.addf %get3A_354, %get3A_59 : vector<16xf32>
        %swap3A_356 = arith.index_cast %add3A_344 : i32 to index
        %swap3A_357 = arith.constant 16 : index
        %swap3A_358 = tpu.vector_load %arg8[%swap3A_356, %swap3A_357] {strides = array<i32>} : memref<128x64xf32, #tpu.memory_space<vmem>>, vector<16xf32>,
        tpu.vector_store %arg8[%swap3A_356, %swap3A_357], %add3A_355 {strides = array<i32>} : memref<128x64xf32, #tpu.memory_space<vmem>>, vector<16xf32>,
        %get3A_359 = arith.index_cast %add3A_344 : i32 to index
        %get3A_360 = arith.constant 32 : index
        %get3A_361 = tpu.vector_load %arg8[%get3A_359, %get3A_360] {strides = array<i32>} : memref<128x64xf32, #tpu.memory_space<vmem>>, vector<16xf32>,
        %add3A_362 = arith.addf %get3A_361, %get3A_65 : vector<16xf32>
        %swap3A_363 = arith.index_cast %add3A_344 : i32 to index
        %swap3A_364 = arith.constant 32 : index
        %swap3A_365 = tpu.vector_load %arg8[%swap3A_363, %swap3A_364] {strides = array<i32>} : memref<128x64xf32, #tpu.memory_space<vmem>>, vector<16xf32>,
        tpu.vector_store %arg8[%swap3A_363, %swap3A_364], %add3A_362 {strides = array<i32>} : memref<128x64xf32, #tpu.memory_space<vmem>>, vector<16xf32>,
        %get3A_366 = arith.index_cast %add3A_344 : i32 to index
        %get3A_367 = arith.constant 48 : index
        %get3A_368 = tpu.vector_load %arg8[%get3A_366, %get3A_367] {strides = array<i32>} : memref<128x64xf32, #tpu.memory_space<vmem>>, vector<16xf32>,
        %add3A_369 = arith.addf %get3A_368, %get3A_71 : vector<16xf32>
        %swap3A_370 = arith.index_cast %add3A_344 : i32 to index
        %swap3A_371 = arith.constant 48 : index
        %swap3A_372 = tpu.vector_load %arg8[%swap3A_370, %swap3A_371] {strides = array<i32>} : memref<128x64xf32, #tpu.memory_space<vmem>>, vector<16xf32>,
        tpu.vector_store %arg8[%swap3A_370, %swap3A_371], %add3A_369 {strides = array<i32>} : memref<128x64xf32, #tpu.memory_space<vmem>>, vector<16xf32>,
        %scan3A_373 = arith.constant 7 : i32
        %scan3A_374 = arith.addi %scan3A_137, %scan3A_373 : i32
        %mul3A_375 = arith.constant 1 : i32
        %mul3A_376 = arith.muli %scan3A_374, %mul3A_375 : i32
        %add3A_377 = arith.constant 0 : i32
        %add3A_378 = arith.addi %add3A_377, %mul3A_376 : i32
        %get3A_379 = arith.index_cast %add3A_378 : i32 to index
        %get3A_380 = arith.constant 0 : index
        %get3A_381 = tpu.vector_load %arg8[%get3A_379, %get3A_380] {strides = array<i32>} : memref<128x64xf32, #tpu.memory_space<vmem>>, vector<16xf32>,
        %add3A_382 = arith.addf %get3A_381, %get3A_53 : vector<16xf32>
        %swap3A_383 = arith.index_cast %add3A_378 : i32 to index
        %swap3A_384 = arith.constant 0 : index
        %swap3A_385 = tpu.vector_load %arg8[%swap3A_383, %swap3A_384] {strides = array<i32>} : memref<128x64xf32, #tpu.memory_space<vmem>>, vector<16xf32>,
        tpu.vector_store %arg8[%swap3A_383, %swap3A_384], %add3A_382 {strides = array<i32>} : memref<128x64xf32, #tpu.memory_space<vmem>>, vector<16xf32>,
        %get3A_386 = arith.index_cast %add3A_378 : i32 to index
        %get3A_387 = arith.constant 16 : index
        %get3A_388 = tpu.vector_load %arg8[%get3A_386, %get3A_387] {strides = array<i32>} : memref<128x64xf32, #tpu.memory_space<vmem>>, vector<16xf32>,
        %add3A_389 = arith.addf %get3A_388, %get3A_59 : vector<16xf32>
        %swap3A_390 = arith.index_cast %add3A_378 : i32 to index
        %swap3A_391 = arith.constant 16 : index
        %swap3A_392 = tpu.vector_load %arg8[%swap3A_390, %swap3A_391] {strides = array<i32>} : memref<128x64xf32, #tpu.memory_space<vmem>>, vector<16xf32>,
        tpu.vector_store %arg8[%swap3A_390, %swap3A_391], %add3A_389 {strides = array<i32>} : memref<128x64xf32, #tpu.memory_space<vmem>>, vector<16xf32>,
        %get3A_393 = arith.index_cast %add3A_378 : i32 to index
        %get3A_394 = arith.constant 32 : index
        %get3A_395 = tpu.vector_load %arg8[%get3A_393, %get3A_394] {strides = array<i32>} : memref<128x64xf32, #tpu.memory_space<vmem>>, vector<16xf32>,
        %add3A_396 = arith.addf %get3A_395, %get3A_65 : vector<16xf32>
        %swap3A_397 = arith.index_cast %add3A_378 : i32 to index
        %swap3A_398 = arith.constant 32 : index
        %swap3A_399 = tpu.vector_load %arg8[%swap3A_397, %swap3A_398] {strides = array<i32>} : memref<128x64xf32, #tpu.memory_space<vmem>>, vector<16xf32>,
        tpu.vector_store %arg8[%swap3A_397, %swap3A_398], %add3A_396 {strides = array<i32>} : memref<128x64xf32, #tpu.memory_space<vmem>>, vector<16xf32>,
        %get3A_400 = arith.index_cast %add3A_378 : i32 to index
        %get3A_401 = arith.constant 48 : index
        %get3A_402 = tpu.vector_load %arg8[%get3A_400, %get3A_401] {strides = array<i32>} : memref<128x64xf32, #tpu.memory_space<vmem>>, vector<16xf32>,
        %add3A_403 = arith.addf %get3A_402, %get3A_71 : vector<16xf32>
        %swap3A_404 = arith.index_cast %add3A_378 : i32 to index
        %swap3A_405 = arith.constant 48 : index
        %swap3A_406 = tpu.vector_load %arg8[%swap3A_404, %swap3A_405] {strides = array<i32>} : memref<128x64xf32, #tpu.memory_space<vmem>>, vector<16xf32>,
        tpu.vector_store %arg8[%swap3A_404, %swap3A_405], %add3A_403 {strides = array<i32>} : memref<128x64xf32, #tpu.memory_space<vmem>>, vector<16xf32>,
      }
      %scan3A_76 = arith.constant 128 : i32
      %dma_start3A_77 = arith.constant 0 : i32
      %dma_start3A_78 = tpu.memref_slice %arg5[%add3A_34, %mul3A_2, %dma_start3A_77] : memref<200x4096x64xf32, #tpu.memory_space<hbm>> -> memref<1x128x64xf32, #tpu.memory_space<hbm>>
      %dma_start3A_79 = tpu.memref_squeeze %dma_start3A_78 : memref<1x128x64xf32, #tpu.memory_space<hbm>> -> memref<128x64xf32, #tpu.memory_space<hbm>>
      %dma_start3A_80 = arith.constant 0 : i32
      %dma_start3A_81 = tpu.memref_slice %arg5[%add3A_34, %mul3A_2, %dma_start3A_80] : memref<200x4096x64xf32, #tpu.memory_space<hbm>> -> memref<1x128x64xf32, #tpu.memory_space<hbm>>
      %dma_start3A_82 = tpu.memref_squeeze %dma_start3A_81 : memref<1x128x64xf32, #tpu.memory_space<hbm>> -> memref<128x64xf32, #tpu.memory_space<hbm>>
      tpu.enqueue_dma source(%arg8 : memref<128x64xf32, #tpu.memory_space<vmem>>) target(%dma_start3A_82 : memref<128x64xf32, #tpu.memory_space<hbm>>) target_semaphore(%arg15 : memref<!tpu.dma_semaphore, #tpu.memory_space<semaphore_mem>>)
      %add3A_83 = arith.constant 1 : i32
      %add3A_84 = arith.addi %add3A_32, %add3A_83 : i32
      %add3A_85 = arith.constant 1 : i32
      %add3A_86 = arith.addi %add3A_84, %add3A_85 : i32
      %lt3A_87 = arith.constant 200 : i32
      %lt3A_88 = arith.cmpi slt, %add3A_86, %lt3A_87 : i32
      %convert_element_type3A_89 = arith.extui %lt3A_88 : i1 to i32
      %cond3A_90 = arith.constant 0 : i32
      %cond3A_91 = arith.cmpi ne, %convert_element_type3A_89, %cond3A_90 : i32
      scf.if %cond3A_91 {
        %add3A_137 = arith.constant 1 : i32
        %add3A_138 = arith.addi %add3A_84, %add3A_137 : i32
        %mul3A_139 = arith.constant 4096 : i32
        %mul3A_140 = arith.muli %add3A_138, %mul3A_139 : i32
        %add3A_141 = arith.addi %mul3A_140, %mul3A_2 : i32
        %dma_wait3A_142 = tpu.memref_slice %arg2[%add3A_141] : memref<819200xi32, #tpu.memory_space<hbm>> -> memref<128xi32, #tpu.memory_space<hbm>>
        %dma_wait3A_143 = tpu.memref_slice %arg2[%add3A_141] : memref<819200xi32, #tpu.memory_space<hbm>> -> memref<128xi32, #tpu.memory_space<hbm>>
        tpu.wait_dma2 semaphore(%arg11 : memref<!tpu.dma_semaphore, #tpu.memory_space<semaphore_mem>>) src(%dma_wait3A_143 : memref<128xi32, #tpu.memory_space<hbm>>) dst(%arg6 : memref<128xi32, #tpu.memory_space<vmem>>)
        %ge3A = arith.constant 1 : i32
        %ge3A_144 = arith.cmpi sge, %add3A_84, %ge3A : i32
        %convert_element_type3A_145 = arith.extui %ge3A_144 : i1 to i32
        %cond3A_146 = arith.constant 0 : i32
        %cond3A_147 = arith.cmpi ne, %convert_element_type3A_145, %cond3A_146 : i32
        scf.if %cond3A_147 {
          %sub3A = arith.constant 1 : i32
          %sub3A_151 = arith.subi %add3A_84, %sub3A : i32
          %dma_wait3A_152 = arith.constant 0 : i32
          %dma_wait3A_153 = tpu.memref_slice %arg5[%sub3A_151, %mul3A_2, %dma_wait3A_152] : memref<200x4096x64xf32, #tpu.memory_space<hbm>> -> memref<1x128x64xf32, #tpu.memory_space<hbm>>
          %dma_wait3A_154 = tpu.memref_squeeze %dma_wait3A_153 : memref<1x128x64xf32, #tpu.memory_space<hbm>> -> memref<128x64xf32, #tpu.memory_space<hbm>>
          %dma_wait3A_155 = arith.constant 0 : i32
          %dma_wait3A_156 = tpu.memref_slice %arg5[%sub3A_151, %mul3A_2, %dma_wait3A_155] : memref<200x4096x64xf32, #tpu.memory_space<hbm>> -> memref<1x128x64xf32, #tpu.memory_space<hbm>>
          %dma_wait3A_157 = tpu.memref_squeeze %dma_wait3A_156 : memref<1x128x64xf32, #tpu.memory_space<hbm>> -> memref<128x64xf32, #tpu.memory_space<hbm>>
          tpu.wait_dma2 semaphore(%arg15 : memref<!tpu.dma_semaphore, #tpu.memory_space<semaphore_mem>>) src(%arg8 : memref<128x64xf32, #tpu.memory_space<vmem>>) dst(%dma_wait3A_157 : memref<128x64xf32, #tpu.memory_space<hbm>>)
        } else {
        }
        %dma_start3A_148 = arith.constant 0 : i32
        %dma_start3A_149 = arith.constant 0 : i32
        %dma_start3A_150 = tpu.memref_slice %arg3[%dma_start3A_148, %dma_start3A_149] : memref<1000000x64xf32, #tpu.memory_space<hbm>> -> memref<1000000x64xf32, #tpu.memory_space<hbm>>
        tpu.enqueue_indirect_dma source(%dma_start3A_150 : memref<1000000x64xf32, #tpu.memory_space<hbm>>) target(%arg8 : memref<128x64xf32, #tpu.memory_space<vmem>>) offsets(%arg6 : memref<128xi32, #tpu.memory_space<vmem>>) semaphore(%arg13 : memref<!tpu.dma_semaphore, #tpu.memory_space<semaphore_mem>>)
      } else {
      }
      %dma_wait3A_92 = arith.constant 0 : i32
      %dma_wait3A_93 = arith.constant 0 : i32
      %dma_wait3A_94 = tpu.memref_slice %arg3[%dma_wait3A_92, %dma_wait3A_93] : memref<1000000x64xf32, #tpu.memory_space<hbm>> -> memref<1000000x64xf32, #tpu.memory_space<hbm>>
      tpu.wait_indirect_dma semaphore(%arg14 : memref<!tpu.dma_semaphore, #tpu.memory_space<semaphore_mem>>) src(%dma_wait3A_94 : memref<1000000x64xf32, #tpu.memory_space<hbm>>) dst(%arg9 : memref<128x64xf32, #tpu.memory_space<vmem>>)
      %add3A_95 = arith.constant 2 : i32
      %add3A_96 = arith.addi %add3A_84, %add3A_95 : i32
      %lt3A_97 = arith.constant 200 : i32
      %lt3A_98 = arith.cmpi slt, %add3A_96, %lt3A_97 : i32
      %convert_element_type3A_99 = arith.extui %lt3A_98 : i1 to i32
      %cond3A_100 = arith.constant 0 : i32
      %cond3A_101 = arith.cmpi ne, %convert_element_type3A_99, %cond3A_100 : i32
      scf.if %cond3A_101 {
        %add3A_137 = arith.constant 2 : i32
        %add3A_138 = arith.addi %add3A_84, %add3A_137 : i32
        %mul3A_139 = arith.constant 4096 : i32
        %mul3A_140 = arith.muli %add3A_138, %mul3A_139 : i32
        %add3A_141 = arith.addi %mul3A_140, %mul3A_2 : i32
        %dma_start3A_142 = tpu.memref_slice %arg2[%add3A_141] : memref<819200xi32, #tpu.memory_space<hbm>> -> memref<128xi32, #tpu.memory_space<hbm>>
        %dma_start3A_143 = tpu.memref_slice %arg2[%add3A_141] : memref<819200xi32, #tpu.memory_space<hbm>> -> memref<128xi32, #tpu.memory_space<hbm>>
        tpu.enqueue_dma source(%dma_start3A_143 : memref<128xi32, #tpu.memory_space<hbm>>) target(%arg7 : memref<128xi32, #tpu.memory_space<vmem>>) target_semaphore(%arg12 : memref<!tpu.dma_semaphore, #tpu.memory_space<semaphore_mem>>)
      } else {
      }
      %mul3A_102 = arith.constant 64 : i32
      %mul3A_103 = arith.muli %add3A_84, %mul3A_102 : i32
      %add3A_104 = arith.constant 0 : i32
      %add3A_105 = arith.addi %mul3A_103, %add3A_104 : i32
      %get3A_106 = arith.index_cast %add3A_105 : i32 to index
      %get3A_107 = tpu.vector_load %arg10[%get3A_106] {strides = array<i32>} : memref<12800xf32, #tpu.memory_space<vmem>>, vector<16xf32>,
      %mul3A_108 = arith.constant 64 : i32
      %mul3A_109 = arith.muli %add3A_84, %mul3A_108 : i32
      %add3A_110 = arith.constant 16 : i32
      %add3A_111 = arith.addi %mul3A_109, %add3A_110 : i32
      %get3A_112 = arith.index_cast %add3A_111 : i32 to index
      %get3A_113 = tpu.vector_load %arg10[%get3A_112] {strides = array<i32>} : memref<12800xf32, #tpu.memory_space<vmem>>, vector<16xf32>,
      %mul3A_114 = arith.constant 64 : i32
      %mul3A_115 = arith.muli %add3A_84, %mul3A_114 : i32
      %add3A_116 = arith.constant 32 : i32
      %add3A_117 = arith.addi %mul3A_115, %add3A_116 : i32
      %get3A_118 = arith.index_cast %add3A_117 : i32 to index
      %get3A_119 = tpu.vector_load %arg10[%get3A_118] {strides = array<i32>} : memref<12800xf32, #tpu.memory_space<vmem>>, vector<16xf32>,
      %mul3A_120 = arith.constant 64 : i32
      %mul3A_121 = arith.muli %add3A_84, %mul3A_120 : i32
      %add3A_122 = arith.constant 48 : i32
      %add3A_123 = arith.addi %mul3A_121, %add3A_122 : i32
      %get3A_124 = arith.index_cast %add3A_123 : i32 to index
      %get3A_125 = tpu.vector_load %arg10[%get3A_124] {strides = array<i32>} : memref<12800xf32, #tpu.memory_space<vmem>>, vector<16xf32>,
      %scan3A_126 = arith.constant 0 : i32
      %scan3A_127 = arith.constant 128 : i32
      %scan3A_128 = arith.addi %scan3A_126, %scan3A_127 : i32
      %scan3A_129 = arith.constant 8 : i32
      scf.for %scan3A_137 = %scan3A_126 to %scan3A_128 step %scan3A_129  : i32 {
        %mul3A_138 = arith.constant 1 : i32
        %mul3A_139 = arith.muli %scan3A_137, %mul3A_138 : i32
        %add3A_140 = arith.constant 0 : i32
        %add3A_141 = arith.addi %add3A_140, %mul3A_139 : i32
        %get3A_142 = arith.index_cast %add3A_141 : i32 to index
        %get3A_143 = arith.constant 0 : index
        %get3A_144 = tpu.vector_load %arg9[%get3A_142, %get3A_143] {strides = array<i32>} : memref<128x64xf32, #tpu.memory_space<vmem>>, vector<16xf32>,
        %add3A_145 = arith.addf %get3A_144, %get3A_107 : vector<16xf32>
        %swap3A = arith.index_cast %add3A_141 : i32 to index
        %swap3A_146 = arith.constant 0 : index
        %swap3A_147 = tpu.vector_load %arg9[%swap3A, %swap3A_146] {strides = array<i32>} : memref<128x64xf32, #tpu.memory_space<vmem>>, vector<16xf32>,
        tpu.vector_store %arg9[%swap3A, %swap3A_146], %add3A_145 {strides = array<i32>} : memref<128x64xf32, #tpu.memory_space<vmem>>, vector<16xf32>,
        %get3A_148 = arith.index_cast %add3A_141 : i32 to index
        %get3A_149 = arith.constant 16 : index
        %get3A_150 = tpu.vector_load %arg9[%get3A_148, %get3A_149] {strides = array<i32>} : memref<128x64xf32, #tpu.memory_space<vmem>>, vector<16xf32>,
        %add3A_151 = arith.addf %get3A_150, %get3A_113 : vector<16xf32>
        %swap3A_152 = arith.index_cast %add3A_141 : i32 to index
        %swap3A_153 = arith.constant 16 : index
        %swap3A_154 = tpu.vector_load %arg9[%swap3A_152, %swap3A_153] {strides = array<i32>} : memref<128x64xf32, #tpu.memory_space<vmem>>, vector<16xf32>,
        tpu.vector_store %arg9[%swap3A_152, %swap3A_153], %add3A_151 {strides = array<i32>} : memref<128x64xf32, #tpu.memory_space<vmem>>, vector<16xf32>,
        %get3A_155 = arith.index_cast %add3A_141 : i32 to index
        %get3A_156 = arith.constant 32 : index
        %get3A_157 = tpu.vector_load %arg9[%get3A_155, %get3A_156] {strides = array<i32>} : memref<128x64xf32, #tpu.memory_space<vmem>>, vector<16xf32>,
        %add3A_158 = arith.addf %get3A_157, %get3A_119 : vector<16xf32>
        %swap3A_159 = arith.index_cast %add3A_141 : i32 to index
        %swap3A_160 = arith.constant 32 : index
        %swap3A_161 = tpu.vector_load %arg9[%swap3A_159, %swap3A_160] {strides = array<i32>} : memref<128x64xf32, #tpu.memory_space<vmem>>, vector<16xf32>,
        tpu.vector_store %arg9[%swap3A_159, %swap3A_160], %add3A_158 {strides = array<i32>} : memref<128x64xf32, #tpu.memory_space<vmem>>, vector<16xf32>,
        %get3A_162 = arith.index_cast %add3A_141 : i32 to index
        %get3A_163 = arith.constant 48 : index
        %get3A_164 = tpu.vector_load %arg9[%get3A_162, %get3A_163] {strides = array<i32>} : memref<128x64xf32, #tpu.memory_space<vmem>>, vector<16xf32>,
        %add3A_165 = arith.addf %get3A_164, %get3A_125 : vector<16xf32>
        %swap3A_166 = arith.index_cast %add3A_141 : i32 to index
        %swap3A_167 = arith.constant 48 : index
        %swap3A_168 = tpu.vector_load %arg9[%swap3A_166, %swap3A_167] {strides = array<i32>} : memref<128x64xf32, #tpu.memory_space<vmem>>, vector<16xf32>,
        tpu.vector_store %arg9[%swap3A_166, %swap3A_167], %add3A_165 {strides = array<i32>} : memref<128x64xf32, #tpu.memory_space<vmem>>, vector<16xf32>,
        %scan3A_169 = arith.constant 1 : i32
        %scan3A_170 = arith.addi %scan3A_137, %scan3A_169 : i32
        %mul3A_171 = arith.constant 1 : i32
        %mul3A_172 = arith.muli %scan3A_170, %mul3A_171 : i32
        %add3A_173 = arith.constant 0 : i32
        %add3A_174 = arith.addi %add3A_173, %mul3A_172 : i32
        %get3A_175 = arith.index_cast %add3A_174 : i32 to index
        %get3A_176 = arith.constant 0 : index
        %get3A_177 = tpu.vector_load %arg9[%get3A_175, %get3A_176] {strides = array<i32>} : memref<128x64xf32, #tpu.memory_space<vmem>>, vector<16xf32>,
        %add3A_178 = arith.addf %get3A_177, %get3A_107 : vector<16xf32>
        %swap3A_179 = arith.index_cast %add3A_174 : i32 to index
        %swap3A_180 = arith.constant 0 : index
        %swap3A_181 = tpu.vector_load %arg9[%swap3A_179, %swap3A_180] {strides = array<i32>} : memref<128x64xf32, #tpu.memory_space<vmem>>, vector<16xf32>,
        tpu.vector_store %arg9[%swap3A_179, %swap3A_180], %add3A_178 {strides = array<i32>} : memref<128x64xf32, #tpu.memory_space<vmem>>, vector<16xf32>,
        %get3A_182 = arith.index_cast %add3A_174 : i32 to index
        %get3A_183 = arith.constant 16 : index
        %get3A_184 = tpu.vector_load %arg9[%get3A_182, %get3A_183] {strides = array<i32>} : memref<128x64xf32, #tpu.memory_space<vmem>>, vector<16xf32>,
        %add3A_185 = arith.addf %get3A_184, %get3A_113 : vector<16xf32>
        %swap3A_186 = arith.index_cast %add3A_174 : i32 to index
        %swap3A_187 = arith.constant 16 : index
        %swap3A_188 = tpu.vector_load %arg9[%swap3A_186, %swap3A_187] {strides = array<i32>} : memref<128x64xf32, #tpu.memory_space<vmem>>, vector<16xf32>,
        tpu.vector_store %arg9[%swap3A_186, %swap3A_187], %add3A_185 {strides = array<i32>} : memref<128x64xf32, #tpu.memory_space<vmem>>, vector<16xf32>,
        %get3A_189 = arith.index_cast %add3A_174 : i32 to index
        %get3A_190 = arith.constant 32 : index
        %get3A_191 = tpu.vector_load %arg9[%get3A_189, %get3A_190] {strides = array<i32>} : memref<128x64xf32, #tpu.memory_space<vmem>>, vector<16xf32>,
        %add3A_192 = arith.addf %get3A_191, %get3A_119 : vector<16xf32>
        %swap3A_193 = arith.index_cast %add3A_174 : i32 to index
        %swap3A_194 = arith.constant 32 : index
        %swap3A_195 = tpu.vector_load %arg9[%swap3A_193, %swap3A_194] {strides = array<i32>} : memref<128x64xf32, #tpu.memory_space<vmem>>, vector<16xf32>,
        tpu.vector_store %arg9[%swap3A_193, %swap3A_194], %add3A_192 {strides = array<i32>} : memref<128x64xf32, #tpu.memory_space<vmem>>, vector<16xf32>,
        %get3A_196 = arith.index_cast %add3A_174 : i32 to index
        %get3A_197 = arith.constant 48 : index
        %get3A_198 = tpu.vector_load %arg9[%get3A_196, %get3A_197] {strides = array<i32>} : memref<128x64xf32, #tpu.memory_space<vmem>>, vector<16xf32>,
        %add3A_199 = arith.addf %get3A_198, %get3A_125 : vector<16xf32>
        %swap3A_200 = arith.index_cast %add3A_174 : i32 to index
        %swap3A_201 = arith.constant 48 : index
        %swap3A_202 = tpu.vector_load %arg9[%swap3A_200, %swap3A_201] {strides = array<i32>} : memref<128x64xf32, #tpu.memory_space<vmem>>, vector<16xf32>,
        tpu.vector_store %arg9[%swap3A_200, %swap3A_201], %add3A_199 {strides = array<i32>} : memref<128x64xf32, #tpu.memory_space<vmem>>, vector<16xf32>,
        %scan3A_203 = arith.constant 2 : i32
        %scan3A_204 = arith.addi %scan3A_137, %scan3A_203 : i32
        %mul3A_205 = arith.constant 1 : i32
        %mul3A_206 = arith.muli %scan3A_204, %mul3A_205 : i32
        %add3A_207 = arith.constant 0 : i32
        %add3A_208 = arith.addi %add3A_207, %mul3A_206 : i32
        %get3A_209 = arith.index_cast %add3A_208 : i32 to index
        %get3A_210 = arith.constant 0 : index
        %get3A_211 = tpu.vector_load %arg9[%get3A_209, %get3A_210] {strides = array<i32>} : memref<128x64xf32, #tpu.memory_space<vmem>>, vector<16xf32>,
        %add3A_212 = arith.addf %get3A_211, %get3A_107 : vector<16xf32>
        %swap3A_213 = arith.index_cast %add3A_208 : i32 to index
        %swap3A_214 = arith.constant 0 : index
        %swap3A_215 = tpu.vector_load %arg9[%swap3A_213, %swap3A_214] {strides = array<i32>} : memref<128x64xf32, #tpu.memory_space<vmem>>, vector<16xf32>,
        tpu.vector_store %arg9[%swap3A_213, %swap3A_214], %add3A_212 {strides = array<i32>} : memref<128x64xf32, #tpu.memory_space<vmem>>, vector<16xf32>,
        %get3A_216 = arith.index_cast %add3A_208 : i32 to index
        %get3A_217 = arith.constant 16 : index
        %get3A_218 = tpu.vector_load %arg9[%get3A_216, %get3A_217] {strides = array<i32>} : memref<128x64xf32, #tpu.memory_space<vmem>>, vector<16xf32>,
        %add3A_219 = arith.addf %get3A_218, %get3A_113 : vector<16xf32>
        %swap3A_220 = arith.index_cast %add3A_208 : i32 to index
        %swap3A_221 = arith.constant 16 : index
        %swap3A_222 = tpu.vector_load %arg9[%swap3A_220, %swap3A_221] {strides = array<i32>} : memref<128x64xf32, #tpu.memory_space<vmem>>, vector<16xf32>,
        tpu.vector_store %arg9[%swap3A_220, %swap3A_221], %add3A_219 {strides = array<i32>} : memref<128x64xf32, #tpu.memory_space<vmem>>, vector<16xf32>,
        %get3A_223 = arith.index_cast %add3A_208 : i32 to index
        %get3A_224 = arith.constant 32 : index
        %get3A_225 = tpu.vector_load %arg9[%get3A_223, %get3A_224] {strides = array<i32>} : memref<128x64xf32, #tpu.memory_space<vmem>>, vector<16xf32>,
        %add3A_226 = arith.addf %get3A_225, %get3A_119 : vector<16xf32>
        %swap3A_227 = arith.index_cast %add3A_208 : i32 to index
        %swap3A_228 = arith.constant 32 : index
        %swap3A_229 = tpu.vector_load %arg9[%swap3A_227, %swap3A_228] {strides = array<i32>} : memref<128x64xf32, #tpu.memory_space<vmem>>, vector<16xf32>,
        tpu.vector_store %arg9[%swap3A_227, %swap3A_228], %add3A_226 {strides = array<i32>} : memref<128x64xf32, #tpu.memory_space<vmem>>, vector<16xf32>,
        %get3A_230 = arith.index_cast %add3A_208 : i32 to index
        %get3A_231 = arith.constant 48 : index
        %get3A_232 = tpu.vector_load %arg9[%get3A_230, %get3A_231] {strides = array<i32>} : memref<128x64xf32, #tpu.memory_space<vmem>>, vector<16xf32>,
        %add3A_233 = arith.addf %get3A_232, %get3A_125 : vector<16xf32>
        %swap3A_234 = arith.index_cast %add3A_208 : i32 to index
        %swap3A_235 = arith.constant 48 : index
        %swap3A_236 = tpu.vector_load %arg9[%swap3A_234, %swap3A_235] {strides = array<i32>} : memref<128x64xf32, #tpu.memory_space<vmem>>, vector<16xf32>,
        tpu.vector_store %arg9[%swap3A_234, %swap3A_235], %add3A_233 {strides = array<i32>} : memref<128x64xf32, #tpu.memory_space<vmem>>, vector<16xf32>,
        %scan3A_237 = arith.constant 3 : i32
        %scan3A_238 = arith.addi %scan3A_137, %scan3A_237 : i32
        %mul3A_239 = arith.constant 1 : i32
        %mul3A_240 = arith.muli %scan3A_238, %mul3A_239 : i32
        %add3A_241 = arith.constant 0 : i32
        %add3A_242 = arith.addi %add3A_241, %mul3A_240 : i32
        %get3A_243 = arith.index_cast %add3A_242 : i32 to index
        %get3A_244 = arith.constant 0 : index
        %get3A_245 = tpu.vector_load %arg9[%get3A_243, %get3A_244] {strides = array<i32>} : memref<128x64xf32, #tpu.memory_space<vmem>>, vector<16xf32>,
        %add3A_246 = arith.addf %get3A_245, %get3A_107 : vector<16xf32>
        %swap3A_247 = arith.index_cast %add3A_242 : i32 to index
        %swap3A_248 = arith.constant 0 : index
        %swap3A_249 = tpu.vector_load %arg9[%swap3A_247, %swap3A_248] {strides = array<i32>} : memref<128x64xf32, #tpu.memory_space<vmem>>, vector<16xf32>,
        tpu.vector_store %arg9[%swap3A_247, %swap3A_248], %add3A_246 {strides = array<i32>} : memref<128x64xf32, #tpu.memory_space<vmem>>, vector<16xf32>,
        %get3A_250 = arith.index_cast %add3A_242 : i32 to index
        %get3A_251 = arith.constant 16 : index
        %get3A_252 = tpu.vector_load %arg9[%get3A_250, %get3A_251] {strides = array<i32>} : memref<128x64xf32, #tpu.memory_space<vmem>>, vector<16xf32>,
        %add3A_253 = arith.addf %get3A_252, %get3A_113 : vector<16xf32>
        %swap3A_254 = arith.index_cast %add3A_242 : i32 to index
        %swap3A_255 = arith.constant 16 : index
        %swap3A_256 = tpu.vector_load %arg9[%swap3A_254, %swap3A_255] {strides = array<i32>} : memref<128x64xf32, #tpu.memory_space<vmem>>, vector<16xf32>,
        tpu.vector_store %arg9[%swap3A_254, %swap3A_255], %add3A_253 {strides = array<i32>} : memref<128x64xf32, #tpu.memory_space<vmem>>, vector<16xf32>,
        %get3A_257 = arith.index_cast %add3A_242 : i32 to index
        %get3A_258 = arith.constant 32 : index
        %get3A_259 = tpu.vector_load %arg9[%get3A_257, %get3A_258] {strides = array<i32>} : memref<128x64xf32, #tpu.memory_space<vmem>>, vector<16xf32>,
        %add3A_260 = arith.addf %get3A_259, %get3A_119 : vector<16xf32>
        %swap3A_261 = arith.index_cast %add3A_242 : i32 to index
        %swap3A_262 = arith.constant 32 : index
        %swap3A_263 = tpu.vector_load %arg9[%swap3A_261, %swap3A_262] {strides = array<i32>} : memref<128x64xf32, #tpu.memory_space<vmem>>, vector<16xf32>,
        tpu.vector_store %arg9[%swap3A_261, %swap3A_262], %add3A_260 {strides = array<i32>} : memref<128x64xf32, #tpu.memory_space<vmem>>, vector<16xf32>,
        %get3A_264 = arith.index_cast %add3A_242 : i32 to index
        %get3A_265 = arith.constant 48 : index
        %get3A_266 = tpu.vector_load %arg9[%get3A_264, %get3A_265] {strides = array<i32>} : memref<128x64xf32, #tpu.memory_space<vmem>>, vector<16xf32>,
        %add3A_267 = arith.addf %get3A_266, %get3A_125 : vector<16xf32>
        %swap3A_268 = arith.index_cast %add3A_242 : i32 to index
        %swap3A_269 = arith.constant 48 : index
        %swap3A_270 = tpu.vector_load %arg9[%swap3A_268, %swap3A_269] {strides = array<i32>} : memref<128x64xf32, #tpu.memory_space<vmem>>, vector<16xf32>,
        tpu.vector_store %arg9[%swap3A_268, %swap3A_269], %add3A_267 {strides = array<i32>} : memref<128x64xf32, #tpu.memory_space<vmem>>, vector<16xf32>,
        %scan3A_271 = arith.constant 4 : i32
        %scan3A_272 = arith.addi %scan3A_137, %scan3A_271 : i32
        %mul3A_273 = arith.constant 1 : i32
        %mul3A_274 = arith.muli %scan3A_272, %mul3A_273 : i32
        %add3A_275 = arith.constant 0 : i32
        %add3A_276 = arith.addi %add3A_275, %mul3A_274 : i32
        %get3A_277 = arith.index_cast %add3A_276 : i32 to index
        %get3A_278 = arith.constant 0 : index
        %get3A_279 = tpu.vector_load %arg9[%get3A_277, %get3A_278] {strides = array<i32>} : memref<128x64xf32, #tpu.memory_space<vmem>>, vector<16xf32>,
        %add3A_280 = arith.addf %get3A_279, %get3A_107 : vector<16xf32>
        %swap3A_281 = arith.index_cast %add3A_276 : i32 to index
        %swap3A_282 = arith.constant 0 : index
        %swap3A_283 = tpu.vector_load %arg9[%swap3A_281, %swap3A_282] {strides = array<i32>} : memref<128x64xf32, #tpu.memory_space<vmem>>, vector<16xf32>,
        tpu.vector_store %arg9[%swap3A_281, %swap3A_282], %add3A_280 {strides = array<i32>} : memref<128x64xf32, #tpu.memory_space<vmem>>, vector<16xf32>,
        %get3A_284 = arith.index_cast %add3A_276 : i32 to index
        %get3A_285 = arith.constant 16 : index
        %get3A_286 = tpu.vector_load %arg9[%get3A_284, %get3A_285] {strides = array<i32>} : memref<128x64xf32, #tpu.memory_space<vmem>>, vector<16xf32>,
        %add3A_287 = arith.addf %get3A_286, %get3A_113 : vector<16xf32>
        %swap3A_288 = arith.index_cast %add3A_276 : i32 to index
        %swap3A_289 = arith.constant 16 : index
        %swap3A_290 = tpu.vector_load %arg9[%swap3A_288, %swap3A_289] {strides = array<i32>} : memref<128x64xf32, #tpu.memory_space<vmem>>, vector<16xf32>,
        tpu.vector_store %arg9[%swap3A_288, %swap3A_289], %add3A_287 {strides = array<i32>} : memref<128x64xf32, #tpu.memory_space<vmem>>, vector<16xf32>,
        %get3A_291 = arith.index_cast %add3A_276 : i32 to index
        %get3A_292 = arith.constant 32 : index
        %get3A_293 = tpu.vector_load %arg9[%get3A_291, %get3A_292] {strides = array<i32>} : memref<128x64xf32, #tpu.memory_space<vmem>>, vector<16xf32>,
        %add3A_294 = arith.addf %get3A_293, %get3A_119 : vector<16xf32>
        %swap3A_295 = arith.index_cast %add3A_276 : i32 to index
        %swap3A_296 = arith.constant 32 : index
        %swap3A_297 = tpu.vector_load %arg9[%swap3A_295, %swap3A_296] {strides = array<i32>} : memref<128x64xf32, #tpu.memory_space<vmem>>, vector<16xf32>,
        tpu.vector_store %arg9[%swap3A_295, %swap3A_296], %add3A_294 {strides = array<i32>} : memref<128x64xf32, #tpu.memory_space<vmem>>, vector<16xf32>,
        %get3A_298 = arith.index_cast %add3A_276 : i32 to index
        %get3A_299 = arith.constant 48 : index
        %get3A_300 = tpu.vector_load %arg9[%get3A_298, %get3A_299] {strides = array<i32>} : memref<128x64xf32, #tpu.memory_space<vmem>>, vector<16xf32>,
        %add3A_301 = arith.addf %get3A_300, %get3A_125 : vector<16xf32>
        %swap3A_302 = arith.index_cast %add3A_276 : i32 to index
        %swap3A_303 = arith.constant 48 : index
        %swap3A_304 = tpu.vector_load %arg9[%swap3A_302, %swap3A_303] {strides = array<i32>} : memref<128x64xf32, #tpu.memory_space<vmem>>, vector<16xf32>,
        tpu.vector_store %arg9[%swap3A_302, %swap3A_303], %add3A_301 {strides = array<i32>} : memref<128x64xf32, #tpu.memory_space<vmem>>, vector<16xf32>,
        %scan3A_305 = arith.constant 5 : i32
        %scan3A_306 = arith.addi %scan3A_137, %scan3A_305 : i32
        %mul3A_307 = arith.constant 1 : i32
        %mul3A_308 = arith.muli %scan3A_306, %mul3A_307 : i32
        %add3A_309 = arith.constant 0 : i32
        %add3A_310 = arith.addi %add3A_309, %mul3A_308 : i32
        %get3A_311 = arith.index_cast %add3A_310 : i32 to index
        %get3A_312 = arith.constant 0 : index
        %get3A_313 = tpu.vector_load %arg9[%get3A_311, %get3A_312] {strides = array<i32>} : memref<128x64xf32, #tpu.memory_space<vmem>>, vector<16xf32>,
        %add3A_314 = arith.addf %get3A_313, %get3A_107 : vector<16xf32>
        %swap3A_315 = arith.index_cast %add3A_310 : i32 to index
        %swap3A_316 = arith.constant 0 : index
        %swap3A_317 = tpu.vector_load %arg9[%swap3A_315, %swap3A_316] {strides = array<i32>} : memref<128x64xf32, #tpu.memory_space<vmem>>, vector<16xf32>,
        tpu.vector_store %arg9[%swap3A_315, %swap3A_316], %add3A_314 {strides = array<i32>} : memref<128x64xf32, #tpu.memory_space<vmem>>, vector<16xf32>,
        %get3A_318 = arith.index_cast %add3A_310 : i32 to index
        %get3A_319 = arith.constant 16 : index
        %get3A_320 = tpu.vector_load %arg9[%get3A_318, %get3A_319] {strides = array<i32>} : memref<128x64xf32, #tpu.memory_space<vmem>>, vector<16xf32>,
        %add3A_321 = arith.addf %get3A_320, %get3A_113 : vector<16xf32>
        %swap3A_322 = arith.index_cast %add3A_310 : i32 to index
        %swap3A_323 = arith.constant 16 : index
        %swap3A_324 = tpu.vector_load %arg9[%swap3A_322, %swap3A_323] {strides = array<i32>} : memref<128x64xf32, #tpu.memory_space<vmem>>, vector<16xf32>,
        tpu.vector_store %arg9[%swap3A_322, %swap3A_323], %add3A_321 {strides = array<i32>} : memref<128x64xf32, #tpu.memory_space<vmem>>, vector<16xf32>,
        %get3A_325 = arith.index_cast %add3A_310 : i32 to index
        %get3A_326 = arith.constant 32 : index
        %get3A_327 = tpu.vector_load %arg9[%get3A_325, %get3A_326] {strides = array<i32>} : memref<128x64xf32, #tpu.memory_space<vmem>>, vector<16xf32>,
        %add3A_328 = arith.addf %get3A_327, %get3A_119 : vector<16xf32>
        %swap3A_329 = arith.index_cast %add3A_310 : i32 to index
        %swap3A_330 = arith.constant 32 : index
        %swap3A_331 = tpu.vector_load %arg9[%swap3A_329, %swap3A_330] {strides = array<i32>} : memref<128x64xf32, #tpu.memory_space<vmem>>, vector<16xf32>,
        tpu.vector_store %arg9[%swap3A_329, %swap3A_330], %add3A_328 {strides = array<i32>} : memref<128x64xf32, #tpu.memory_space<vmem>>, vector<16xf32>,
        %get3A_332 = arith.index_cast %add3A_310 : i32 to index
        %get3A_333 = arith.constant 48 : index
        %get3A_334 = tpu.vector_load %arg9[%get3A_332, %get3A_333] {strides = array<i32>} : memref<128x64xf32, #tpu.memory_space<vmem>>, vector<16xf32>,
        %add3A_335 = arith.addf %get3A_334, %get3A_125 : vector<16xf32>
        %swap3A_336 = arith.index_cast %add3A_310 : i32 to index
        %swap3A_337 = arith.constant 48 : index
        %swap3A_338 = tpu.vector_load %arg9[%swap3A_336, %swap3A_337] {strides = array<i32>} : memref<128x64xf32, #tpu.memory_space<vmem>>, vector<16xf32>,
        tpu.vector_store %arg9[%swap3A_336, %swap3A_337], %add3A_335 {strides = array<i32>} : memref<128x64xf32, #tpu.memory_space<vmem>>, vector<16xf32>,
        %scan3A_339 = arith.constant 6 : i32
        %scan3A_340 = arith.addi %scan3A_137, %scan3A_339 : i32
        %mul3A_341 = arith.constant 1 : i32
        %mul3A_342 = arith.muli %scan3A_340, %mul3A_341 : i32
        %add3A_343 = arith.constant 0 : i32
        %add3A_344 = arith.addi %add3A_343, %mul3A_342 : i32
        %get3A_345 = arith.index_cast %add3A_344 : i32 to index
        %get3A_346 = arith.constant 0 : index
        %get3A_347 = tpu.vector_load %arg9[%get3A_345, %get3A_346] {strides = array<i32>} : memref<128x64xf32, #tpu.memory_space<vmem>>, vector<16xf32>,
        %add3A_348 = arith.addf %get3A_347, %get3A_107 : vector<16xf32>
        %swap3A_349 = arith.index_cast %add3A_344 : i32 to index
        %swap3A_350 = arith.constant 0 : index
        %swap3A_351 = tpu.vector_load %arg9[%swap3A_349, %swap3A_350] {strides = array<i32>} : memref<128x64xf32, #tpu.memory_space<vmem>>, vector<16xf32>,
        tpu.vector_store %arg9[%swap3A_349, %swap3A_350], %add3A_348 {strides = array<i32>} : memref<128x64xf32, #tpu.memory_space<vmem>>, vector<16xf32>,
        %get3A_352 = arith.index_cast %add3A_344 : i32 to index
        %get3A_353 = arith.constant 16 : index
        %get3A_354 = tpu.vector_load %arg9[%get3A_352, %get3A_353] {strides = array<i32>} : memref<128x64xf32, #tpu.memory_space<vmem>>, vector<16xf32>,
        %add3A_355 = arith.addf %get3A_354, %get3A_113 : vector<16xf32>
        %swap3A_356 = arith.index_cast %add3A_344 : i32 to index
        %swap3A_357 = arith.constant 16 : index
        %swap3A_358 = tpu.vector_load %arg9[%swap3A_356, %swap3A_357] {strides = array<i32>} : memref<128x64xf32, #tpu.memory_space<vmem>>, vector<16xf32>,
        tpu.vector_store %arg9[%swap3A_356, %swap3A_357], %add3A_355 {strides = array<i32>} : memref<128x64xf32, #tpu.memory_space<vmem>>, vector<16xf32>,
        %get3A_359 = arith.index_cast %add3A_344 : i32 to index
        %get3A_360 = arith.constant 32 : index
        %get3A_361 = tpu.vector_load %arg9[%get3A_359, %get3A_360] {strides = array<i32>} : memref<128x64xf32, #tpu.memory_space<vmem>>, vector<16xf32>,
        %add3A_362 = arith.addf %get3A_361, %get3A_119 : vector<16xf32>
        %swap3A_363 = arith.index_cast %add3A_344 : i32 to index
        %swap3A_364 = arith.constant 32 : index
        %swap3A_365 = tpu.vector_load %arg9[%swap3A_363, %swap3A_364] {strides = array<i32>} : memref<128x64xf32, #tpu.memory_space<vmem>>, vector<16xf32>,
        tpu.vector_store %arg9[%swap3A_363, %swap3A_364], %add3A_362 {strides = array<i32>} : memref<128x64xf32, #tpu.memory_space<vmem>>, vector<16xf32>,
        %get3A_366 = arith.index_cast %add3A_344 : i32 to index
        %get3A_367 = arith.constant 48 : index
        %get3A_368 = tpu.vector_load %arg9[%get3A_366, %get3A_367] {strides = array<i32>} : memref<128x64xf32, #tpu.memory_space<vmem>>, vector<16xf32>,
        %add3A_369 = arith.addf %get3A_368, %get3A_125 : vector<16xf32>
        %swap3A_370 = arith.index_cast %add3A_344 : i32 to index
        %swap3A_371 = arith.constant 48 : index
        %swap3A_372 = tpu.vector_load %arg9[%swap3A_370, %swap3A_371] {strides = array<i32>} : memref<128x64xf32, #tpu.memory_space<vmem>>, vector<16xf32>,
        tpu.vector_store %arg9[%swap3A_370, %swap3A_371], %add3A_369 {strides = array<i32>} : memref<128x64xf32, #tpu.memory_space<vmem>>, vector<16xf32>,
        %scan3A_373 = arith.constant 7 : i32
        %scan3A_374 = arith.addi %scan3A_137, %scan3A_373 : i32
        %mul3A_375 = arith.constant 1 : i32
        %mul3A_376 = arith.muli %scan3A_374, %mul3A_375 : i32
        %add3A_377 = arith.constant 0 : i32
        %add3A_378 = arith.addi %add3A_377, %mul3A_376 : i32
        %get3A_379 = arith.index_cast %add3A_378 : i32 to index
        %get3A_380 = arith.constant 0 : index
        %get3A_381 = tpu.vector_load %arg9[%get3A_379, %get3A_380] {strides = array<i32>} : memref<128x64xf32, #tpu.memory_space<vmem>>, vector<16xf32>,
        %add3A_382 = arith.addf %get3A_381, %get3A_107 : vector<16xf32>
        %swap3A_383 = arith.index_cast %add3A_378 : i32 to index
        %swap3A_384 = arith.constant 0 : index
        %swap3A_385 = tpu.vector_load %arg9[%swap3A_383, %swap3A_384] {strides = array<i32>} : memref<128x64xf32, #tpu.memory_space<vmem>>, vector<16xf32>,
        tpu.vector_store %arg9[%swap3A_383, %swap3A_384], %add3A_382 {strides = array<i32>} : memref<128x64xf32, #tpu.memory_space<vmem>>, vector<16xf32>,
        %get3A_386 = arith.index_cast %add3A_378 : i32 to index
        %get3A_387 = arith.constant 16 : index
        %get3A_388 = tpu.vector_load %arg9[%get3A_386, %get3A_387] {strides = array<i32>} : memref<128x64xf32, #tpu.memory_space<vmem>>, vector<16xf32>,
        %add3A_389 = arith.addf %get3A_388, %get3A_113 : vector<16xf32>
        %swap3A_390 = arith.index_cast %add3A_378 : i32 to index
        %swap3A_391 = arith.constant 16 : index
        %swap3A_392 = tpu.vector_load %arg9[%swap3A_390, %swap3A_391] {strides = array<i32>} : memref<128x64xf32, #tpu.memory_space<vmem>>, vector<16xf32>,
        tpu.vector_store %arg9[%swap3A_390, %swap3A_391], %add3A_389 {strides = array<i32>} : memref<128x64xf32, #tpu.memory_space<vmem>>, vector<16xf32>,
        %get3A_393 = arith.index_cast %add3A_378 : i32 to index
        %get3A_394 = arith.constant 32 : index
        %get3A_395 = tpu.vector_load %arg9[%get3A_393, %get3A_394] {strides = array<i32>} : memref<128x64xf32, #tpu.memory_space<vmem>>, vector<16xf32>,
        %add3A_396 = arith.addf %get3A_395, %get3A_119 : vector<16xf32>
        %swap3A_397 = arith.index_cast %add3A_378 : i32 to index
        %swap3A_398 = arith.constant 32 : index
        %swap3A_399 = tpu.vector_load %arg9[%swap3A_397, %swap3A_398] {strides = array<i32>} : memref<128x64xf32, #tpu.memory_space<vmem>>, vector<16xf32>,
        tpu.vector_store %arg9[%swap3A_397, %swap3A_398], %add3A_396 {strides = array<i32>} : memref<128x64xf32, #tpu.memory_space<vmem>>, vector<16xf32>,
        %get3A_400 = arith.index_cast %add3A_378 : i32 to index
        %get3A_401 = arith.constant 48 : index
        %get3A_402 = tpu.vector_load %arg9[%get3A_400, %get3A_401] {strides = array<i32>} : memref<128x64xf32, #tpu.memory_space<vmem>>, vector<16xf32>,
        %add3A_403 = arith.addf %get3A_402, %get3A_125 : vector<16xf32>
        %swap3A_404 = arith.index_cast %add3A_378 : i32 to index
        %swap3A_405 = arith.constant 48 : index
        %swap3A_406 = tpu.vector_load %arg9[%swap3A_404, %swap3A_405] {strides = array<i32>} : memref<128x64xf32, #tpu.memory_space<vmem>>, vector<16xf32>,
        tpu.vector_store %arg9[%swap3A_404, %swap3A_405], %add3A_403 {strides = array<i32>} : memref<128x64xf32, #tpu.memory_space<vmem>>, vector<16xf32>,
      }
      %scan3A_130 = arith.constant 128 : i32
      %dma_start3A_131 = arith.constant 0 : i32
      %dma_start3A_132 = tpu.memref_slice %arg5[%add3A_84, %mul3A_2, %dma_start3A_131] : memref<200x4096x64xf32, #tpu.memory_space<hbm>> -> memref<1x128x64xf32, #tpu.memory_space<hbm>>
      %dma_start3A_133 = tpu.memref_squeeze %dma_start3A_132 : memref<1x128x64xf32, #tpu.memory_space<hbm>> -> memref<128x64xf32, #tpu.memory_space<hbm>>
      %dma_start3A_134 = arith.constant 0 : i32
      %dma_start3A_135 = tpu.memref_slice %arg5[%add3A_84, %mul3A_2, %dma_start3A_134] : memref<200x4096x64xf32, #tpu.memory_space<hbm>> -> memref<1x128x64xf32, #tpu.memory_space<hbm>>
      %dma_start3A_136 = tpu.memref_squeeze %dma_start3A_135 : memref<1x128x64xf32, #tpu.memory_space<hbm>> -> memref<128x64xf32, #tpu.memory_space<hbm>>
      tpu.enqueue_dma source(%arg9 : memref<128x64xf32, #tpu.memory_space<vmem>>) target(%dma_start3A_136 : memref<128x64xf32, #tpu.memory_space<hbm>>) target_semaphore(%arg16 : memref<!tpu.dma_semaphore, #tpu.memory_space<semaphore_mem>>)
    }
    %scan3A_14 = arith.constant 100 : i32
    %dma_wait3A = arith.constant 198 : i32
    %dma_wait3A_15 = arith.constant 0 : i32
    %dma_wait3A_16 = tpu.memref_slice %arg5[%dma_wait3A, %mul3A_2, %dma_wait3A_15] : memref<200x4096x64xf32, #tpu.memory_space<hbm>> -> memref<1x128x64xf32, #tpu.memory_space<hbm>>
    %dma_wait3A_17 = tpu.memref_squeeze %dma_wait3A_16 : memref<1x128x64xf32, #tpu.memory_space<hbm>> -> memref<128x64xf32, #tpu.memory_space<hbm>>
    %dma_wait3A_18 = arith.constant 0 : i32
    %dma_wait3A_19 = tpu.memref_slice %arg5[%dma_wait3A, %mul3A_2, %dma_wait3A_18] : memref<200x4096x64xf32, #tpu.memory_space<hbm>> -> memref<1x128x64xf32, #tpu.memory_space<hbm>>
    %dma_wait3A_20 = tpu.memref_squeeze %dma_wait3A_19 : memref<1x128x64xf32, #tpu.memory_space<hbm>> -> memref<128x64xf32, #tpu.memory_space<hbm>>
    tpu.wait_dma2 semaphore(%arg15 : memref<!tpu.dma_semaphore, #tpu.memory_space<semaphore_mem>>) src(%arg8 : memref<128x64xf32, #tpu.memory_space<vmem>>) dst(%dma_wait3A_20 : memref<128x64xf32, #tpu.memory_space<hbm>>)
    %dma_wait3A_21 = arith.constant 199 : i32
    %dma_wait3A_22 = arith.constant 0 : i32
    %dma_wait3A_23 = tpu.memref_slice %arg5[%dma_wait3A_21, %mul3A_2, %dma_wait3A_22] : memref<200x4096x64xf32, #tpu.memory_space<hbm>> -> memref<1x128x64xf32, #tpu.memory_space<hbm>>
    %dma_wait3A_24 = tpu.memref_squeeze %dma_wait3A_23 : memref<1x128x64xf32, #tpu.memory_space<hbm>> -> memref<128x64xf32, #tpu.memory_space<hbm>>
    %dma_wait3A_25 = arith.constant 0 : i32
    %dma_wait3A_26 = tpu.memref_slice %arg5[%dma_wait3A_21, %mul3A_2, %dma_wait3A_25] : memref<200x4096x64xf32, #tpu.memory_space<hbm>> -> memref<1x128x64xf32, #tpu.memory_space<hbm>>
    %dma_wait3A_27 = tpu.memref_squeeze %dma_wait3A_26 : memref<1x128x64xf32, #tpu.memory_space<hbm>> -> memref<128x64xf32, #tpu.memory_space<hbm>>
    tpu.wait_dma2 semaphore(%arg16 : memref<!tpu.dma_semaphore, #tpu.memory_space<semaphore_mem>>) src(%arg9 : memref<128x64xf32, #tpu.memory_space<vmem>>) dst(%dma_wait3A_27 : memref<128x64xf32, #tpu.memory_space<hbm>>)
    return
  }
}

</mosaic_0001>

<sc_bundles>
// kernel: kernel.3.cloned.1.call-start
scs
__scs_entry_jumppad:
0x0: {  	(pc) =	sbr.rel $0x88, $3  }
0x1: {  	(tag) =	ssettag $0x0;
	lr =	simm.s32 $0x1  }
0x2: {  	[smem:$0x3F9F] =	sst lr;
	_ =	strace $0xD0000000  }
0x3: {  	_ = 	snop  }
0x4: {  	_ = 	snop  }
0x5: {  	_ = 	snop  }
0x6: {  	_ = 	snop  }
0x7: {  	_ = 	snop  }
__scs_overlays_trampoline_lowered:
0x8: {  	[smem:$0x3FAE] =	sst s0  }
0x9: {  	[smem:$0x3FAF] =	sst s1  }
0xa: {  	[smem:$0x3FB0] =	sst s2  }
0xb: {  	[smem:$0x3FB1] =	sst s3  }
0xc: {  	[smem:$0x3FB2] =	sst s4  }
0xd: {  	[smem:$0x3FB3] =	sst s5  }
0xe: {  	[smem:$0x3FB4] =	sst s6  }
0xf: {  	[smem:$0x3FB5] =	sst s7  }
0x10: {  	[smem:$0x3FB6] =	sst s8  }
0x11: {  	[smem:$0x3FB7] =	sst s9;
	s0 =	simm.s32 @!p0 $0x0  }
0x12: {  	s1 =	sld [smem:$0x3F9D];
	s0 =	simm.s32 @p0 $0x1  }
0x13: {  	[smem:$0x3FB8] =	sst s0;
	s0 =	simm.s32 @!p1 $0x0  }
0x14: {  	s2 =	sld [smem:$0x3F9C];
	s0 =	simm.s32 @p1 $0x1  }
0x15: {  	[smem:$0x3FB9] =	sst s0;
	s0 =	simm.s32 @!p2 $0x0  }
0x16: {  	s3 =	sld [smem:$0x3FDB];
	s0 =	simm.s32 @p2 $0x1  }
0x17: {  	s4 =	simm.s32 $0x1BF5;
	[smem:$0x3FBB] =	sst s0  }
0x18: {  	s0 =	sld [smem:$0x3F9E];
	_ =	swait.ge [sflag:s4], $0x0  }
0x19: {  	s7 =	sld [smem:$0x3F9F]  }
0x1a: {  	s8 =	sadd.s32 $0xFFFFE003, lr  }
0x1b: {  	s9 =	sadd.s32 $0xFFFFFEF7, lr;
	s5 =	simm.s32 $0xFFFFFFFF;
	p2 =	slt.u32 s8, $0xFFFFF086  }
0x1c: {  	p1 =	slt.u32 s9, $0xF7A;
	s5 =	simm.s32 @!p2 $0x0  }
0x1d: {  	s5 =	simm.s32 @p1 $0x1;
	p0 =	seq.s32 s7, s2  }
0x1e: {  	s7 =	smul.u32 @!p0 $0xF7A, s2;
	p2 =	seq.s32 @!p0 s5, $0x0  }
0x1f: {  	s9 =	smul.u32 $0xF7A, s1;
	s8 =	simm.s32 @!p0 $0x1BF5;
	p2 =	por !p2, p0  }
0x20: {  	[sflag:s8] =	ssyncset.s32 @!p0 $0xFFFFF086;
	s6 =	sadd.s32 @!p0 s3, s7;
	s7 =	simm.s32 @!p0 $0x108  }
0x21: {  	s3 =	sadd.s32 s3, s9;
	s6 =	sadd.s32 @!p0 $0x88, s6;
	s7 =	simm.s32 @p2 $0x1082  }
0x22: {  	[simem:s7], [sflag:s8] =	dma.local @!p0 [hbm:s6], $0xF7A  }
0x23: {  	s9 =	sor.u32 $0xD0000000, s2;
	s6 =	simm.s32 $0x108;
	_ =	swait.ge @!p0 [sflag:s8], $0x0  }
0x24: {  	s3 =	sadd.s32 $0x88, s3;
	s6 =	simm.s32 @!p1 $0x1082;
	[sflag:s4] =	ssyncset.s32 $0xFFFFF086  }
0x25: {  	[simem:s6], [sflag:s4] =	dma.local [hbm:s3], $0xF7A  }
0x26: {  	[smem:$0x3F9F] =	sst s1;
	(tag) =	ssettag s2;
	_ =	strace s9  }
0x27: {  	s1 =	sld [smem:$0x3FAF]  }
0x28: {  	s2 =	sld [smem:$0x3FB0]  }
0x29: {  	s4 =	sld [smem:$0x3FB2]  }
0x2a: {  	p0 =	seq.s32 s5, $0x0;
	s5 =	sld [smem:$0x3FB3]  }
0x2b: {  	s6 =	sld [smem:$0x3FB4]  }
0x2c: {  	s7 =	sld [smem:$0x3FB5]  }
0x2d: {  	s3 =	simm.s32 $0x108;
	s8 =	sld [smem:$0x3FB6]  }
0x2e: {  	s3 =	simm.s32 @!p0 $0x1082;
	s9 =	sld [smem:$0x3FB7]  }
0x2f: {  	lr =	sadd.s32 s0, s3;
	s0 =	sld [smem:$0x3FAE]  }
0x30: {  	s3 =	sld [smem:$0x3FB1]  }
0x31: {  	[smem:$0x3FBA] =	sst s10  }
0x32: {  	s10 =	sld [smem:$0x3FB8];
	_ =	sdelay $0x3  }
0x33: {  	p0 =	seq.s32 s10, $0x1;
	s10 =	sld [smem:$0x3FBA];
	_ =	sdelay $0x3  }
0x34: {  	[smem:$0x3FBA] =	sst s10  }
0x35: {  	s10 =	sld [smem:$0x3FB9];
	_ =	sdelay $0x3  }
0x36: {  	p1 =	seq.s32 s10, $0x1;
	s10 =	sld [smem:$0x3FBA];
	_ =	sdelay $0x3  }
0x37: {  	[smem:$0x3FBA] =	sst s10  }
0x38: {  	s10 =	sld [smem:$0x3FBB]  }
0x39: {  	_ = 	snop;
	(pc) =	sbr.ind lr, $3  }
0x3a: {  	_ = 	snop  }
0x3b: {  	_ = 	snop  }
0x3c: {  	p2 =	seq.s32 s10, $0x1;
	s10 =	sld [smem:$0x3FBA]  }
0x3d: {  	_ =	shalt  }
0x3e: {  	_ =	shalt  }
0x3f: {  	_ =	shalt  }
0x40: {  	_ =	shalt  }
0x41: {  	_ =	shalt  }
0x42: {  	_ =	shalt  }
0x43: {  	_ =	shalt  }
0x44: {  	_ =	shalt  }
0x45: {  	_ =	shalt  }
0x46: {  	_ =	shalt  }
0x47: {  	_ =	shalt  }
0x48: {  	_ =	shalt  }
0x49: {  	_ =	shalt  }
0x4a: {  	_ =	shalt  }
0x4b: {  	_ =	shalt  }
0x4c: {  	_ =	shalt  }
0x4d: {  	_ =	shalt  }
0x4e: {  	_ =	shalt  }
0x4f: {  	_ =	shalt  }
0x50: {  	_ =	shalt  }
0x51: {  	_ =	shalt  }
0x52: {  	_ =	shalt  }
0x53: {  	_ =	shalt  }
0x54: {  	_ =	shalt  }
0x55: {  	_ =	shalt  }
0x56: {  	_ =	shalt  }
0x57: {  	_ =	shalt  }
0x58: {  	_ =	shalt  }
0x59: {  	_ =	shalt  }
0x5a: {  	_ =	shalt  }
0x5b: {  	_ =	shalt  }
0x5c: {  	_ =	shalt  }
0x5d: {  	_ =	shalt  }
0x5e: {  	_ =	shalt  }
0x5f: {  	_ =	shalt  }
0x60: {  	_ =	shalt  }
0x61: {  	_ =	shalt  }
0x62: {  	_ =	shalt  }
0x63: {  	_ =	shalt  }
0x64: {  	_ =	shalt  }
0x65: {  	_ =	shalt  }
0x66: {  	_ =	shalt  }
0x67: {  	_ =	shalt  }
0x68: {  	_ =	shalt  }
0x69: {  	_ =	shalt  }
0x6a: {  	_ =	shalt  }
0x6b: {  	_ =	shalt  }
0x6c: {  	_ =	shalt  }
0x6d: {  	_ =	shalt  }
0x6e: {  	_ =	shalt  }
0x6f: {  	_ =	shalt  }
0x70: {  	_ =	shalt  }
0x71: {  	_ =	shalt  }
0x72: {  	_ =	shalt  }
0x73: {  	_ =	shalt  }
0x74: {  	_ =	shalt  }
0x75: {  	_ =	shalt  }
0x76: {  	_ =	shalt  }
0x77: {  	_ =	shalt  }
0x78: {  	_ =	shalt  }
0x79: {  	_ =	shalt  }
0x7a: {  	_ =	shalt  }
0x7b: {  	_ =	shalt  }
0x7c: {  	_ =	shalt  }
0x7d: {  	_ =	shalt  }
0x7e: {  	_ =	shalt  }
0x7f: {  	_ =	shalt  }
0x80: {  	_ =	shalt  }
0x81: {  	_ =	shalt  }
0x82: {  	_ =	shalt  }
0x83: {  	_ =	shalt  }
0x84: {  	_ =	shalt  }
0x85: {  	_ =	shalt  }
0x86: {  	_ =	shalt  }
0x87: {  	_ =	shalt  }
.Lfunc_end0:
.L_simem_size_0:
called_computation.1_lowered:
.L_overlay_start_0:
0x88: {  	s2 =	sld [smem:$0x3FD9]  }
0x89: {  	s3 =	sld [smem:$0x3FFE];
	_ =	sdelay $0x1  }
0x8a: {  	s1 =	srdreg.scid  }
0x8b: {  	s0 =	sand.u32 $0x1, s1  }
0x8c: {  	s17 =	sshll.u32 s0, $0xA;
	s2 =	sadd.s32 s3, s2  }
0x8d: {  	s2 =	sadd.s32 s2, s17  }
0x8e: {  	[smem:$0x3FC6] =	sst s2  }
0x8f: {  	_ = 	snop  }
0x90: {  	s2 =	sld [smem:$0x3FD0];
	(tm) =	ssettm $0x1  }
0x91: {  	s18 =	sld [smem:$0x3FFB];
	_ =	sdelay $0x3  }
0x92: {  	_ =	strace s18  }
0x93: {  	s3 =	sld [smem:$0x3FFC];
	_ =	sdelay $0x3  }
0x94: {  	_ =	strace s3  }
0x95: {  	s3 =	sld [smem:$0x3FFD];
	_ =	sdelay $0x3  }
0x96: {  	_ =	strace s3  }
0x97: {  	_ =	strace $0x8FFFFFFF  }
0x98: {  	s19 =	sld [smem:$0x3FDB];
	_ =	sdelay $0x1  }
0x99: {  	s4 =	simm.s32 $_scs_section_size  }
0x9a: {  	s5 =	simm.s32 $_size__tile_overlayer_lowered;
	s6 =	simm.s32 $_tile_overlayer_lowered  }
0x9b: {  	s22 =	simm.s32 $0x1BFF;
	s21 =	sshll.u32 s6, $0x1;
	s3 =	sadd.s32 s4, s19  }
0x9c: {  	s7 =	simm.s32 $0x0;
	s20 =	sshll.u32 s5, $0x1;
	s5 =	sadd.s32 s21, s3  }
0x9d: {  	[timem:s7], [sflag:s22] =	dma.local [hbm:s5], s20  }
0x9e: {  	_ =	swait.ge [sflag:s22], s20  }
0x9f: {  	s4 =	ssub.s32 $0x0, s20;
	[sflag:s22] =	ssyncset.done $0x0  }
0xa0: {  	[sflag:s22] =	ssyncadd.s32 s4;
	_ =	sdelay $0x1  }
0xa1: {  	s23 =	simm.s32 $0x1B8B  }
0xa2: {  	_ =	swait.ge [sflag:s23], $0x1  }
0xa3: {  	[sflag:s23] =	ssyncset.done $0x0  }
0xa4: {  	s25 =	simm.s32 $0x1B8E;
	s24 =	sld [smem:$0x3FFE];
	[sflag:s23] =	ssyncadd.s32 $0xFFFFFFFF  }
0xa5: {  	s26 =	simm.s32 $execute0_lowered;
	[smem:$0x3FD2] =	sst s25  }
0xa6: {  	s5 =	sshll.u32 s26, $0x1;
	_ =	strace $0x80000046;
	[dreg:$0x1] =	wrdreg $0xFFFFFFFF  }
0xa7: {  	s28 =	simm.s32 $_size_execute0_lowered;
	s3 =	sadd.s32 s3, s5;
	[dreg:$0x0] =	wrdreg $0x0  }
0xa8: {  	s5 =	sshll.u32 s28, $0x1;
	[dreg:$0x2] =	wrdreg s3  }
0xa9: {  	[dreg:$0x3] =	wrdreg s5  }
0xaa: {  	[dreg:$0x4] =	wrdreg $0xC0  }
0xab: {  	_ =	task [dreg:s7], $0x5FFFF  }
0xac: {  	[dreg:$0x1] =	wrdreg $0xFFFFFFFF  }
0xad: {  	[dreg:$0x0] =	wrdreg $0x60  }
0xae: {  	[dreg:$0x2] =	wrdreg s24  }
0xaf: {  	[dreg:$0x3] =	wrdreg s2  }
0xb0: {  	[dreg:$0x4] =	wrdreg $0x9  }
0xb1: {  	_ =	task.clear_ibuf [dreg:s7], $0x5FFFF;
	_ =	strace $0x90000046  }
0xb2: {  	s29 =	simm.s32 $0x9;
	_ =	strace $0x80000048  }
0xb3: {  	_ =	swait.ge [sflag:s29], $0x1  }
0xb4: {  	[sflag:s29] =	ssyncadd.s32 $0xFFFFFFFF  }
0xb5: {  	_ =	strace $0x90000048  }
0xb6: {  	_ =	sfence  }
0xb7: {  	s30 =	sld [smem:$0x0];
	_ =	sdelay $0x2  }
0xb8: {  	s31 =	sshll.u32 s1, $0xD;
	s1 =	sshrl.u32 s1, $0x2  }
0xb9: {  	s3 =	sand.u32 $0x4000, s31;
	s1 =	sadd.s32 s1, s30  }
0xba: {  	s0 =	sor.u32 s3, s0;
	s1 =	sshll.u32 s1, $0x11  }
0xbb: {  	s0 =	sor.u32 s1, s0  }
0xbc: {  	s0 =	sadd.s32 $0x8F2B, s0  }
0xbd: {  	[sflag:s0] =	ssyncadd.remote.s32 $0x1  }
0xbe: {  	_ =	sfence.sel $0xFFFF  }
0xbf: {  	[dreg:$0x0] =	wrdreg $0xFFFFFFFF;
	(pc) =	sbr.abs _section_cstart, $3  }
0xc0: {  	[dreg:$0x1] =	wrdreg $0xFFFFFFFF  }
0xc1: {  	_ =	task.clear_ibuf [dreg:s7], $0x2FFFF;
	_ =	strace $0x9FFFFFFF  }
0xc2: {  	(tm) =	ssettm $0x7FFFFFFF  }
0xc3: {  	_ =	shalt  }
tec
execute0_lowered:
.L_overlay_start_1:
0x0: {  	(tag) =	ssettag $0x1  }
0x1: {  	s6 =	rddreg [dreg:$0x0]  }
0x2: {  	s1 =	rddreg [dreg:$0x1]  }
0x3: {  	s0 =	rddreg [dreg:$0x2];
	s3 =	simm.s32 $0x0;
	s4 =	srdreg.scid  }
0x4: {  	s2 =	stileid.u32;
	s13 =	simm.s32 $0x4100;
	s14 =	simm.s32 $0x7  }
0x5: {  	s15 =	simm.s32 $0x80;
	s16 =	simm.s32 $0x100;
	s17 =	simm.s32 $0x2  }
0x6: {  	s18 =	simm.s32 $0x2100;
	s19 =	simm.s32 $0x3;
	s20 =	simm.s32 $0x5  }
0x7: {  	s21 =	simm.s32 $0x6;
	s22 =	simm.s32 $0x0;
	[smem:$0x7FF] =	sst s3  }
0x8: {  	s5 =	sand.u32 $0x1, s4;
	s7 =	sshll.u32 s2, $0x8;
	s4 =	sadd.s32 $0xC00, s6  }
0x9: {  	_ =	strace $0x80000047;
	s8 =	sshll.u32 s5, $0x7;
	s9 =	ssub.s32 $0x2, s5  }
0xa: {  	s5 =	sadd.s32 $0xF43000, s6;
	s11 =	sor.u32 s8, s7;
	s31 =	sshrl.u32 s9, $0x1  }
0xb: {  	s6 =	sadd.s32 $0x19C00, s6;
	s8 =	sshrl.u32 s11, $0x3;
	s12 =	ssub.s32 s9, s31  }
0xc: {  	s9 =	sor.u32 $0x2000, s11;
	s10 =	sor.u32 $0x3000, s11;
	s7 =	sadd.s32 s4, s8  }
0xd: {  	s11 =	sshll.u32 s11, $0x6;
	s12 =	smax.u32 s12, $0x1;
	s8 =	sadd.s32 $0x200, s7  }
.LBB2_1:
0xe: {  	[tilespmem:s13], [sflag:$0x7] =	stream.linear.gather [hbm4b:s6+s3], $0x3200, $0x38;
	[tilespmem:$0x7300] =	vst v63  }
0xf: {  	_ =	swait.ge [sflag:s14], $0x3200  }
0x10: {  	[sflag:s14] =	ssyncset.done $0x0  }
0x11: {  	[sflag:s14] =	ssyncadd.s32 $0xFFFFCE00  }
0x12: {  	[tilespmem:s3], [sflag:$0x7] =	stream.linear.gather [hbm4b:s7+s3], $0x80, $0x38;
	[tilespmem:$0x7300] =	vst v63  }
0x13: {  	_ =	swait.ge [sflag:s14], $0x80  }
0x14: {  	[sflag:s14] =	ssyncset.done $0x0  }
0x15: {  	[sflag:s14] =	ssyncadd.s32 $0xFFFFFF80  }
0x16: {  	[tilespmem:s15], [sflag:$0x2] =	stream.linear.gather [hbm4b:s8+s3], $0x80, $0x38;
	[tilespmem:$0x7300] =	vst v63  }
0x17: {  	s23 =	simm.s32 $0x0  }
0x18: {  	[tilespmem:s16], [sflag:$0x3] =	stream.indirect.gather [hbm4b:s5+s15], $0x40, s3, s15, $0xb8;
	[tilespmem:$0x7300] =	vst v63  }
.LBB2_2:
0x19: {  	_ =	swait.ge [sflag:s17], $0x80  }
0x1a: {  	p0 =	seq.s32 s23, $0x0;
	[sflag:s17] =	ssyncset.done $0x0  }
0x1b: {  	s24 =	simm.s32 @!p0 $0x6;
	[sflag:s17] =	ssyncadd.s32 $0xFFFFFF80  }
0x1c: {  	_ =	swait.ge @!p0 [sflag:s24], $0x2000  }
0x1d: {  	[sflag:s24] =	ssyncset.done @!p0 $0x0  }
0x1e: {  	[sflag:s24] =	ssyncadd.s32 @!p0 $0xFFFFE000;
	p0 =	seq.s32 s23, $0x63  }
0x1f: {  	[tilespmem:s18], [sflag:$0x4] =	stream.indirect.gather [hbm4b:s5+s15], $0x40, s15, s15, $0xb8;
	[tilespmem:$0x7300] =	vst v63  }
0x20: {  	s24 =	sshll.u32 @!p0 s23, $0xD  }
0x21: {  	_ =	swait.ge [sflag:s19], $0x2000;
	s24 =	sadd.s32 @!p0 s9, s24  }
0x22: {  	s31 =	sshll.u32 s23, $0x7;
	[sflag:s19] =	ssyncset.done $0x0;
	s24 =	sshrl.u32 @!p0 s24, $0x3  }
0x23: {  	s25 =	simm.s32 @!p0 $0x0;
	[sflag:s19] =	ssyncadd.s32 $0xFFFFE000;
	s24 =	sadd.s32 @!p0 s4, s24  }
0x24: {  	[tilespmem:s25], [sflag:$0x1] =	stream.linear.gather @!p0 [hbm4b:s24+s25], $0x80, $0x38;
	[tilespmem:$0x7300] =	vst v63  }
0x25: {  	s24 =	sand.u32 $0x3FFFFF80, s31  }
0x26: {  	v3 =	vld [tilespmem:s24+$0x4100]  }
0x27: {  	v2 =	vld [tilespmem:s24+$0x4110]  }
0x28: {  	v1 =	vld [tilespmem:s24+$0x4120]  }
0x29: {  	s25 =	simm.s32 $0x200;
	v0 =	vld [tilespmem:s24+$0x4130]  }
0x2a: {  	v4 =	vld [tilespmem:s25+$0xFFFFFF00]  }
0x2b: {  	v5 =	vld [tilespmem:s25+$0xFFFFFF10]  }
0x2c: {  	v6 =	vld [tilespmem:s25+$0xFFFFFF20]  }
0x2d: {  	v7 =	vld [tilespmem:s25+$0xFFFFFF30]  }
0x2e: {  	v8 =	vld [tilespmem:s25+$0xFFFFFF40]  }
0x2f: {  	v9 =	vld [tilespmem:s25+$0xFFFFFF50];
	v4 =	vadd.f32 v4, v3  }
0x30: {  	v10 =	vld [tilespmem:s25+$0xFFFFFF60];
	v5 =	vadd.f32 v5, v2  }
0x31: {  	[tilespmem:s25+$0xFFFFFF00] =	vst v4;
	v4 =	vadd.f32 v6, v1;
	v6 =	vld [tilespmem:s25+$0xFFFFFF70]  }
0x32: {  	[tilespmem:s25+$0xFFFFFF10] =	vst v5;
	v5 =	vadd.f32 v7, v0;
	v7 =	vld [tilespmem:s25+$0xFFFFFF80]  }
0x33: {  	[tilespmem:s25+$0xFFFFFF20] =	vst v4;
	v4 =	vadd.f32 v8, v3;
	v8 =	vld [tilespmem:s25+$0xFFFFFF90]  }
0x34: {  	[tilespmem:s25+$0xFFFFFF30] =	vst v5;
	v5 =	vadd.f32 v9, v2;
	v9 =	vld [tilespmem:s25+$0xFFFFFFA0]  }
0x35: {  	[tilespmem:s25+$0xFFFFFF40] =	vst v4;
	v4 =	vadd.f32 v10, v1;
	v10 =	vld [tilespmem:s25+$0xFFFFFFB0]  }
0x36: {  	[tilespmem:s25+$0xFFFFFF50] =	vst v5;
	v5 =	vadd.f32 v6, v0;
	v6 =	vld [tilespmem:s25+$0xFFFFFFC0]  }
0x37: {  	[tilespmem:s25+$0xFFFFFF60] =	vst v4;
	v4 =	vadd.f32 v7, v3;
	v7 =	vld [tilespmem:s25+$0xFFFFFFD0]  }
0x38: {  	[tilespmem:s25+$0xFFFFFF70] =	vst v5;
	v5 =	vadd.f32 v8, v2;
	v8 =	vld [tilespmem:s25+$0xFFFFFFE0]  }
0x39: {  	[tilespmem:s25+$0xFFFFFF80] =	vst v4;
	v4 =	vadd.f32 v9, v1;
	v9 =	vld [tilespmem:s25+$0x0]  }
0x3a: {  	[tilespmem:s25+$0xFFFFFF90] =	vst v5;
	v5 =	vadd.f32 v10, v0;
	v10 =	vld [tilespmem:s25+$0x10]  }
0x3b: {  	[tilespmem:s25+$0xFFFFFFA0] =	vst v4;
	v4 =	vadd.f32 v6, v3;
	v6 =	vld [tilespmem:s25+$0x20]  }
0x3c: {  	[tilespmem:s25+$0xFFFFFFB0] =	vst v5;
	v5 =	vadd.f32 v7, v2;
	v7 =	vld [tilespmem:s25+$0x30]  }
0x3d: {  	[tilespmem:s25+$0xFFFFFFC0] =	vst v4;
	v4 =	vadd.f32 v8, v1;
	v8 =	vld [tilespmem:s25+$0x40]  }
0x3e: {  	[tilespmem:s25+$0xFFFFFFD0] =	vst v5;
	v5 =	vadd.f32 v9, v3;
	v9 =	vld [tilespmem:s25+$0x50]  }
0x3f: {  	[tilespmem:s25+$0xFFFFFFE0] =	vst v4;
	v4 =	vadd.f32 v10, v2;
	v10 =	vld [tilespmem:s25+$0x60]  }
0x40: {  	[tilespmem:s25+$0x0] =	vst v5;
	v5 =	vadd.f32 v6, v1;
	v6 =	vld [tilespmem:s25+$0x70]  }
0x41: {  	[tilespmem:s25+$0x10] =	vst v4;
	v4 =	vadd.f32 v7, v0;
	v7 =	vld [tilespmem:s25+$0x80]  }
0x42: {  	[tilespmem:s25+$0x20] =	vst v5;
	v5 =	vadd.f32 v8, v3;
	v8 =	vld [tilespmem:s25+$0x90]  }
0x43: {  	[tilespmem:s25+$0x30] =	vst v4;
	v4 =	vadd.f32 v9, v2;
	v9 =	vld [tilespmem:s25+$0xA0]  }
0x44: {  	[tilespmem:s25+$0x40] =	vst v5;
	v5 =	vadd.f32 v10, v1;
	v10 =	vld [tilespmem:s25+$0xB0]  }
0x45: {  	[tilespmem:s25+$0x50] =	vst v4;
	v6 =	vadd.f32 v6, v0;
	v4 =	vld [tilespmem:s25+$0xC0]  }
0x46: {  	[tilespmem:s25+$0x60] =	vst v5;
	v7 =	vadd.f32 v7, v3;
	v5 =	vld [tilespmem:s25+$0xD0]  }
0x47: {  	[tilespmem:s25+$0x70] =	vst v6;
	v11 =	vadd.f32 v8, v2;
	v6 =	vld [tilespmem:s25+$0xE0]  }
0x48: {  	[tilespmem:s25+$0x80] =	vst v7;
	v7 =	vld [tilespmem:s25+$0xF0];
	v9 =	vadd.f32 v9, v1  }
0x49: {  	s26 =	simm.s32 $0x0;
	s28 =	simm.s32 $0x400;
	s24 =	sshllo.u32 s23, $0x1;
	v8 =	vld [tilespmem:s25+$0xFFFFFFF0];
	[tilespmem:s25+$0x90] =	vst v11;
	v10 =	vadd.f32 v10, v0  }
.LBB2_3:
0x4a: {  	v11 =	vld [tilespmem:s28+$0xFFFFFF00];
	[tilespmem:s25+$0xA0] =	vst v9;
	v4 =	vadd.f32 v4, v3  }
0x4b: {  	v9 =	vld [tilespmem:s28+$0xFFFFFF10];
	[tilespmem:s25+$0xB0] =	vst v10;
	v5 =	vadd.f32 v5, v2  }
0x4c: {  	v10 =	vld [tilespmem:s28+$0xFFFFFF20];
	[tilespmem:s25+$0xC0] =	vst v4;
	v4 =	vadd.f32 v6, v1  }
0x4d: {  	v6 =	vld [tilespmem:s28+$0xFFFFFF30];
	[tilespmem:s25+$0xD0] =	vst v5;
	v5 =	vadd.f32 v7, v0  }
0x4e: {  	v7 =	vld [tilespmem:s28+$0xFFFFFF40];
	v8 =	vadd.f32 v8, v0;
	[tilespmem:s25+$0xE0] =	vst v4  }
0x4f: {  	v4 =	vadd.f32 v11, v3;
	v11 =	vld [tilespmem:s28+$0xFFFFFF50];
	[tilespmem:s25+$0xF0] =	vst v5  }
0x50: {  	v5 =	vadd.f32 v9, v2;
	v9 =	vld [tilespmem:s28+$0xFFFFFF60];
	[tilespmem:s25+$0xFFFFFFF0] =	vst v8;
	s25 =	smov.u32 s28  }
0x51: {  	[tilespmem:s28+$0xFFFFFF00] =	vst v4;
	v4 =	vadd.f32 v10, v1;
	v8 =	vld [tilespmem:s28+$0xFFFFFF70]  }
0x52: {  	[tilespmem:s28+$0xFFFFFF10] =	vst v5;
	v5 =	vadd.f32 v6, v0;
	v6 =	vld [tilespmem:s28+$0xFFFFFF80]  }
0x53: {  	[tilespmem:s28+$0xFFFFFF20] =	vst v4;
	v4 =	vadd.f32 v7, v3;
	v7 =	vld [tilespmem:s28+$0xFFFFFF90]  }
0x54: {  	[tilespmem:s28+$0xFFFFFF30] =	vst v5;
	v5 =	vadd.f32 v11, v2;
	v10 =	vld [tilespmem:s28+$0xFFFFFFA0]  }
0x55: {  	[tilespmem:s28+$0xFFFFFF40] =	vst v4;
	v4 =	vadd.f32 v9, v1;
	v9 =	vld [tilespmem:s28+$0xFFFFFFB0]  }
0x56: {  	[tilespmem:s28+$0xFFFFFF50] =	vst v5;
	v5 =	vadd.f32 v8, v0;
	v8 =	vld [tilespmem:s28+$0xFFFFFFC0]  }
0x57: {  	[tilespmem:s28+$0xFFFFFF60] =	vst v4;
	v4 =	vadd.f32 v6, v3;
	v6 =	vld [tilespmem:s28+$0xFFFFFFD0]  }
0x58: {  	[tilespmem:s28+$0xFFFFFF70] =	vst v5;
	v5 =	vadd.f32 v7, v2;
	v7 =	vld [tilespmem:s28+$0xFFFFFFE0]  }
0x59: {  	[tilespmem:s28+$0xFFFFFF80] =	vst v4;
	v4 =	vadd.f32 v10, v1;
	v10 =	vld [tilespmem:s28+$0x0]  }
0x5a: {  	[tilespmem:s28+$0xFFFFFF90] =	vst v5;
	v5 =	vadd.f32 v9, v0;
	v9 =	vld [tilespmem:s28+$0x10]  }
0x5b: {  	[tilespmem:s28+$0xFFFFFFA0] =	vst v4;
	v4 =	vadd.f32 v8, v3;
	v8 =	vld [tilespmem:s28+$0x20]  }
0x5c: {  	[tilespmem:s28+$0xFFFFFFB0] =	vst v5;
	v5 =	vadd.f32 v6, v2;
	v6 =	vld [tilespmem:s28+$0x30]  }
0x5d: {  	[tilespmem:s28+$0xFFFFFFC0] =	vst v4;
	v4 =	vadd.f32 v7, v1;
	v7 =	vld [tilespmem:s28+$0x40]  }
0x5e: {  	[tilespmem:s28+$0xFFFFFFD0] =	vst v5;
	v5 =	vadd.f32 v10, v3;
	v10 =	vld [tilespmem:s28+$0x50]  }
0x5f: {  	[tilespmem:s28+$0xFFFFFFE0] =	vst v4;
	v4 =	vadd.f32 v9, v2;
	v9 =	vld [tilespmem:s28+$0x60]  }
0x60: {  	[tilespmem:s28+$0x0] =	vst v5;
	v5 =	vadd.f32 v8, v1;
	v8 =	vld [tilespmem:s28+$0x70]  }
0x61: {  	[tilespmem:s28+$0x10] =	vst v4;
	v4 =	vadd.f32 v6, v0;
	v6 =	vld [tilespmem:s28+$0x80]  }
0x62: {  	[tilespmem:s28+$0x20] =	vst v5;
	v5 =	vadd.f32 v7, v3;
	v7 =	vld [tilespmem:s28+$0x90]  }
0x63: {  	s26 =	sadd.s32 $0x8, s26;
	[tilespmem:s28+$0x30] =	vst v4;
	v4 =	vadd.f32 v10, v2;
	v10 =	vld [tilespmem:s28+$0xA0]  }
0x64: {  	p0 =	slt.u32 s26, $0x78;
	[tilespmem:s28+$0x40] =	vst v5;
	v5 =	vadd.f32 v9, v1;
	v11 =	vld [tilespmem:s28+$0xB0]  }
.Ltmp0:
0x65: {  	[tilespmem:s28+$0x50] =	vst v4;
	v8 =	vadd.f32 v8, v0;
	v4 =	vld [tilespmem:s28+$0xC0];
	(pc) =	sbr.rel @p0 .LBB2_3-.Ltmp0, $4  }
0x66: {  	[tilespmem:s28+$0x60] =	vst v5;
	v9 =	vadd.f32 v6, v3;
	v5 =	vld [tilespmem:s28+$0xD0]  }
0x67: {  	[tilespmem:s28+$0x70] =	vst v8;
	v12 =	vadd.f32 v7, v2;
	v6 =	vld [tilespmem:s28+$0xE0]  }
0x68: {  	[tilespmem:s28+$0x80] =	vst v9;
	v9 =	vadd.f32 v10, v1;
	v7 =	vld [tilespmem:s28+$0xF0]  }
0x69: {  	s28 =	sadd.s32 $0x200, s28;
	v8 =	vld [tilespmem:s25+$0xFFFFFFF0];
	[tilespmem:s25+$0x90] =	vst v12;
	v10 =	vadd.f32 v11, v0  }
0x6a: {  	[tilespmem:s25+$0xA0] =	vst v9;
	v3 =	vadd.f32 v4, v3  }
0x6b: {  	[tilespmem:s25+$0xB0] =	vst v10;
	v2 =	vadd.f32 v5, v2  }
0x6c: {  	[tilespmem:s25+$0xC0] =	vst v3;
	v1 =	vadd.f32 v6, v1  }
0x6d: {  	s26 =	sshll.u32 s23, $0x13;
	[tilespmem:s25+$0xD0] =	vst v2;
	v2 =	vadd.f32 v7, v0  }
0x6e: {  	s26 =	sor.u32 s11, s26;
	v0 =	vadd.f32 v8, v0;
	[tilespmem:s25+$0xE0] =	vst v1  }
0x6f: {  	p0 =	sne.s32 s23, $0x63;
	s26 =	sshrl.u32 s26, $0x3;
	[tilespmem:s25+$0xF0] =	vst v2  }
0x70: {  	s29 =	sadd.s32 s1, s26;
	[tilespmem:s25+$0xFFFFFFF0] =	vst v0;
	s25 =	simm.s32 @p0 $0x1  }
0x71: {  	[hbm4b:s29+s3] =	stream.linear.scatter [tilespmem:s16], [sflag:$0x5], $0x2000, $0x38;
	[tilespmem:$0x7300] =	vst v63  }
0x72: {  	_ =	swait.ge @p0 [sflag:s25], $0x80  }
0x73: {  	[sflag:s25] =	ssyncset.done @p0 $0x0  }
0x74: {  	[sflag:s25] =	ssyncadd.s32 @p0 $0xFFFFFF80;
	s25 =	simm.s32 @p0 $0x5  }
0x75: {  	_ =	swait.ge @p0 [sflag:s25], $0x2000  }
0x76: {  	s28 =	simm.s32 @p0 $0x100;
	[sflag:s25] =	ssyncset.done @p0 $0x0  }
0x77: {  	s26 =	simm.s32 @p0 $0x0;
	[sflag:s25] =	ssyncadd.s32 @p0 $0xFFFFE000;
	s25 =	simm.s32 @p0 $0x80  }
0x78: {  	[tilespmem:s28], [sflag:$0x3] =	stream.indirect.gather @p0 [hbm4b:s5+s25], $0x40, s26, s25, $0xb8;
	[tilespmem:$0x7300] =	vst v63  }
0x79: {  	s29 =	sshll.u32 @p0 s23, $0xD;
	s28 =	simm.s32 @p0 $0x4  }
0x7a: {  	s29 =	sadd.s32 @p0 s10, s29;
	_ =	swait.ge @p0 [sflag:s28], $0x2000  }
0x7b: {  	s29 =	sshrl.u32 @p0 s29, $0x3;
	[sflag:s28] =	ssyncset.done @p0 $0x0  }
0x7c: {  	[sflag:s28] =	ssyncadd.s32 @p0 $0xFFFFE000;
	s28 =	sadd.s32 @p0 s4, s29  }
0x7d: {  	[tilespmem:s25], [sflag:$0x2] =	stream.linear.gather @p0 [hbm4b:s28+s26], $0x80, $0x38;
	[tilespmem:$0x7300] =	vst v63  }
0x7e: {  	s25 =	simm.s32 @!p0 $0x4  }
0x7f: {  	_ =	swait.ge @!p0 [sflag:s25], $0x2000  }
0x80: {  	s30 =	sshll.u32 s24, $0x6;
	[sflag:s25] =	ssyncset.done @!p0 $0x0  }
0x81: {  	s31 =	sand.u32 $0x3FFFFFC0, s30;
	[sflag:s25] =	ssyncadd.s32 @!p0 $0xFFFFE000  }
0x82: {  	v3 =	vld [tilespmem:s31+$0x4100]  }
0x83: {  	v2 =	vld [tilespmem:s31+$0x4110]  }
0x84: {  	v1 =	vld [tilespmem:s31+$0x4120]  }
0x85: {  	s25 =	simm.s32 $0x2200;
	v0 =	vld [tilespmem:s31+$0x4130]  }
0x86: {  	v4 =	vld [tilespmem:s25+$0xFFFFFF00]  }
0x87: {  	v5 =	vld [tilespmem:s25+$0xFFFFFF10]  }
0x88: {  	v6 =	vld [tilespmem:s25+$0xFFFFFF20]  }
0x89: {  	v7 =	vld [tilespmem:s25+$0xFFFFFF30]  }
0x8a: {  	v8 =	vld [tilespmem:s25+$0xFFFFFF40]  }
0x8b: {  	v9 =	vld [tilespmem:s25+$0xFFFFFF50];
	v4 =	vadd.f32 v4, v3  }
0x8c: {  	v10 =	vld [tilespmem:s25+$0xFFFFFF60];
	v5 =	vadd.f32 v5, v2  }
0x8d: {  	[tilespmem:s25+$0xFFFFFF00] =	vst v4;
	v4 =	vadd.f32 v6, v1;
	v6 =	vld [tilespmem:s25+$0xFFFFFF70]  }
0x8e: {  	[tilespmem:s25+$0xFFFFFF10] =	vst v5;
	v5 =	vadd.f32 v7, v0;
	v7 =	vld [tilespmem:s25+$0xFFFFFF80]  }
0x8f: {  	[tilespmem:s25+$0xFFFFFF20] =	vst v4;
	v4 =	vadd.f32 v8, v3;
	v8 =	vld [tilespmem:s25+$0xFFFFFF90]  }
0x90: {  	[tilespmem:s25+$0xFFFFFF30] =	vst v5;
	v5 =	vadd.f32 v9, v2;
	v9 =	vld [tilespmem:s25+$0xFFFFFFA0]  }
0x91: {  	[tilespmem:s25+$0xFFFFFF40] =	vst v4;
	v4 =	vadd.f32 v10, v1;
	v10 =	vld [tilespmem:s25+$0xFFFFFFB0]  }
0x92: {  	[tilespmem:s25+$0xFFFFFF50] =	vst v5;
	v5 =	vadd.f32 v6, v0;
	v6 =	vld [tilespmem:s25+$0xFFFFFFC0]  }
0x93: {  	[tilespmem:s25+$0xFFFFFF60] =	vst v4;
	v4 =	vadd.f32 v7, v3;
	v7 =	vld [tilespmem:s25+$0xFFFFFFD0]  }
0x94: {  	[tilespmem:s25+$0xFFFFFF70] =	vst v5;
	v5 =	vadd.f32 v8, v2;
	v8 =	vld [tilespmem:s25+$0xFFFFFFE0]  }
0x95: {  	[tilespmem:s25+$0xFFFFFF80] =	vst v4;
	v4 =	vadd.f32 v9, v1;
	v9 =	vld [tilespmem:s25+$0x0]  }
0x96: {  	[tilespmem:s25+$0xFFFFFF90] =	vst v5;
	v5 =	vadd.f32 v10, v0;
	v10 =	vld [tilespmem:s25+$0x10]  }
0x97: {  	[tilespmem:s25+$0xFFFFFFA0] =	vst v4;
	v4 =	vadd.f32 v6, v3;
	v6 =	vld [tilespmem:s25+$0x20]  }
0x98: {  	[tilespmem:s25+$0xFFFFFFB0] =	vst v5;
	v5 =	vadd.f32 v7, v2;
	v7 =	vld [tilespmem:s25+$0x30]  }
0x99: {  	[tilespmem:s25+$0xFFFFFFC0] =	vst v4;
	v4 =	vadd.f32 v8, v1;
	v8 =	vld [tilespmem:s25+$0x40]  }
0x9a: {  	[tilespmem:s25+$0xFFFFFFD0] =	vst v5;
	v5 =	vadd.f32 v9, v3;
	v9 =	vld [tilespmem:s25+$0x50]  }
0x9b: {  	[tilespmem:s25+$0xFFFFFFE0] =	vst v4;
	v4 =	vadd.f32 v10, v2;
	v10 =	vld [tilespmem:s25+$0x60]  }
0x9c: {  	[tilespmem:s25+$0x0] =	vst v5;
	v5 =	vadd.f32 v6, v1;
	v6 =	vld [tilespmem:s25+$0x70]  }
0x9d: {  	[tilespmem:s25+$0x10] =	vst v4;
	v4 =	vadd.f32 v7, v0;
	v7 =	vld [tilespmem:s25+$0x80]  }
0x9e: {  	[tilespmem:s25+$0x20] =	vst v5;
	v5 =	vadd.f32 v8, v3;
	v8 =	vld [tilespmem:s25+$0x90]  }
0x9f: {  	[tilespmem:s25+$0x30] =	vst v4;
	v4 =	vadd.f32 v9, v2;
	v9 =	vld [tilespmem:s25+$0xA0]  }
0xa0: {  	[tilespmem:s25+$0x40] =	vst v5;
	v5 =	vadd.f32 v10, v1;
	v10 =	vld [tilespmem:s25+$0xB0]  }
0xa1: {  	[tilespmem:s25+$0x50] =	vst v4;
	v6 =	vadd.f32 v6, v0;
	v4 =	vld [tilespmem:s25+$0xC0]  }
0xa2: {  	[tilespmem:s25+$0x60] =	vst v5;
	v7 =	vadd.f32 v7, v3;
	v5 =	vld [tilespmem:s25+$0xD0]  }
0xa3: {  	[tilespmem:s25+$0x70] =	vst v6;
	v11 =	vadd.f32 v8, v2;
	v6 =	vld [tilespmem:s25+$0xE0]  }
0xa4: {  	[tilespmem:s25+$0x80] =	vst v7;
	v7 =	vld [tilespmem:s25+$0xF0];
	v9 =	vadd.f32 v9, v1  }
0xa5: {  	s26 =	simm.s32 $0x0;
	s28 =	simm.s32 $0x2400;
	v8 =	vld [tilespmem:s25+$0xFFFFFFF0];
	[tilespmem:s25+$0x90] =	vst v11;
	v10 =	vadd.f32 v10, v0  }
.LBB2_5:
0xa6: {  	v11 =	vld [tilespmem:s28+$0xFFFFFF00];
	[tilespmem:s25+$0xA0] =	vst v9;
	v4 =	vadd.f32 v4, v3  }
0xa7: {  	v9 =	vld [tilespmem:s28+$0xFFFFFF10];
	[tilespmem:s25+$0xB0] =	vst v10;
	v5 =	vadd.f32 v5, v2  }
0xa8: {  	v10 =	vld [tilespmem:s28+$0xFFFFFF20];
	[tilespmem:s25+$0xC0] =	vst v4;
	v4 =	vadd.f32 v6, v1  }
0xa9: {  	v6 =	vld [tilespmem:s28+$0xFFFFFF30];
	[tilespmem:s25+$0xD0] =	vst v5;
	v5 =	vadd.f32 v7, v0  }
0xaa: {  	v7 =	vld [tilespmem:s28+$0xFFFFFF40];
	v8 =	vadd.f32 v8, v0;
	[tilespmem:s25+$0xE0] =	vst v4  }
0xab: {  	v4 =	vadd.f32 v11, v3;
	v11 =	vld [tilespmem:s28+$0xFFFFFF50];
	[tilespmem:s25+$0xF0] =	vst v5  }
0xac: {  	v5 =	vadd.f32 v9, v2;
	v9 =	vld [tilespmem:s28+$0xFFFFFF60];
	[tilespmem:s25+$0xFFFFFFF0] =	vst v8;
	s25 =	smov.u32 s28  }
0xad: {  	[tilespmem:s28+$0xFFFFFF00] =	vst v4;
	v4 =	vadd.f32 v10, v1;
	v8 =	vld [tilespmem:s28+$0xFFFFFF70]  }
0xae: {  	[tilespmem:s28+$0xFFFFFF10] =	vst v5;
	v5 =	vadd.f32 v6, v0;
	v6 =	vld [tilespmem:s28+$0xFFFFFF80]  }
0xaf: {  	[tilespmem:s28+$0xFFFFFF20] =	vst v4;
	v4 =	vadd.f32 v7, v3;
	v7 =	vld [tilespmem:s28+$0xFFFFFF90]  }
0xb0: {  	[tilespmem:s28+$0xFFFFFF30] =	vst v5;
	v5 =	vadd.f32 v11, v2;
	v10 =	vld [tilespmem:s28+$0xFFFFFFA0]  }
0xb1: {  	[tilespmem:s28+$0xFFFFFF40] =	vst v4;
	v4 =	vadd.f32 v9, v1;
	v9 =	vld [tilespmem:s28+$0xFFFFFFB0]  }
0xb2: {  	[tilespmem:s28+$0xFFFFFF50] =	vst v5;
	v5 =	vadd.f32 v8, v0;
	v8 =	vld [tilespmem:s28+$0xFFFFFFC0]  }
0xb3: {  	[tilespmem:s28+$0xFFFFFF60] =	vst v4;
	v4 =	vadd.f32 v6, v3;
	v6 =	vld [tilespmem:s28+$0xFFFFFFD0]  }
0xb4: {  	[tilespmem:s28+$0xFFFFFF70] =	vst v5;
	v5 =	vadd.f32 v7, v2;
	v7 =	vld [tilespmem:s28+$0xFFFFFFE0]  }
0xb5: {  	[tilespmem:s28+$0xFFFFFF80] =	vst v4;
	v4 =	vadd.f32 v10, v1;
	v10 =	vld [tilespmem:s28+$0x0]  }
0xb6: {  	[tilespmem:s28+$0xFFFFFF90] =	vst v5;
	v5 =	vadd.f32 v9, v0;
	v9 =	vld [tilespmem:s28+$0x10]  }
0xb7: {  	[tilespmem:s28+$0xFFFFFFA0] =	vst v4;
	v4 =	vadd.f32 v8, v3;
	v8 =	vld [tilespmem:s28+$0x20]  }
0xb8: {  	[tilespmem:s28+$0xFFFFFFB0] =	vst v5;
	v5 =	vadd.f32 v6, v2;
	v6 =	vld [tilespmem:s28+$0x30]  }
0xb9: {  	[tilespmem:s28+$0xFFFFFFC0] =	vst v4;
	v4 =	vadd.f32 v7, v1;
	v7 =	vld [tilespmem:s28+$0x40]  }
0xba: {  	[tilespmem:s28+$0xFFFFFFD0] =	vst v5;
	v5 =	vadd.f32 v10, v3;
	v10 =	vld [tilespmem:s28+$0x50]  }
0xbb: {  	[tilespmem:s28+$0xFFFFFFE0] =	vst v4;
	v4 =	vadd.f32 v9, v2;
	v9 =	vld [tilespmem:s28+$0x60]  }
0xbc: {  	[tilespmem:s28+$0x0] =	vst v5;
	v5 =	vadd.f32 v8, v1;
	v8 =	vld [tilespmem:s28+$0x70]  }
0xbd: {  	[tilespmem:s28+$0x10] =	vst v4;
	v4 =	vadd.f32 v6, v0;
	v6 =	vld [tilespmem:s28+$0x80]  }
0xbe: {  	[tilespmem:s28+$0x20] =	vst v5;
	v5 =	vadd.f32 v7, v3;
	v7 =	vld [tilespmem:s28+$0x90]  }
0xbf: {  	s26 =	sadd.s32 $0x8, s26;
	[tilespmem:s28+$0x30] =	vst v4;
	v4 =	vadd.f32 v10, v2;
	v10 =	vld [tilespmem:s28+$0xA0]  }
0xc0: {  	p0 =	slt.u32 s26, $0x78;
	[tilespmem:s28+$0x40] =	vst v5;
	v5 =	vadd.f32 v9, v1;
	v11 =	vld [tilespmem:s28+$0xB0]  }
.Ltmp1:
0xc1: {  	[tilespmem:s28+$0x50] =	vst v4;
	v8 =	vadd.f32 v8, v0;
	v4 =	vld [tilespmem:s28+$0xC0];
	(pc) =	sbr.rel @p0 .LBB2_5-.Ltmp1, $4  }
0xc2: {  	[tilespmem:s28+$0x60] =	vst v5;
	v9 =	vadd.f32 v6, v3;
	v5 =	vld [tilespmem:s28+$0xD0]  }
0xc3: {  	[tilespmem:s28+$0x70] =	vst v8;
	v12 =	vadd.f32 v7, v2;
	v6 =	vld [tilespmem:s28+$0xE0]  }
0xc4: {  	[tilespmem:s28+$0x80] =	vst v9;
	v9 =	vadd.f32 v10, v1;
	v7 =	vld [tilespmem:s28+$0xF0]  }
0xc5: {  	s28 =	sadd.s32 $0x200, s28;
	v8 =	vld [tilespmem:s25+$0xFFFFFFF0];
	[tilespmem:s25+$0x90] =	vst v12;
	v10 =	vadd.f32 v11, v0  }
0xc6: {  	[tilespmem:s25+$0xA0] =	vst v9;
	v3 =	vadd.f32 v4, v3  }
0xc7: {  	s23 =	sadd.s32 $0x1, s23;
	[tilespmem:s25+$0xB0] =	vst v10;
	v2 =	vadd.f32 v5, v2  }
0xc8: {  	p0 =	sne.s32 s23, $0x64;
	[tilespmem:s25+$0xC0] =	vst v3;
	v1 =	vadd.f32 v6, v1  }
.Ltmp2:
0xc9: {  	s24 =	sshll.u32 s24, $0x12;
	[tilespmem:s25+$0xD0] =	vst v2;
	v62 =	vadd.f32 v7, v0;
	(pc) =	sbr.rel @p0 .LBB2_2-.Ltmp2, $4  }
0xca: {  	s24 =	sor.u32 s11, s24;
	v63 =	vadd.f32 v8, v0;
	[tilespmem:s25+$0xE0] =	vst v1  }
0xcb: {  	s24 =	sshrl.u32 s24, $0x3;
	[tilespmem:s25+$0xF0] =	vst v62  }
0xcc: {  	s24 =	sadd.s32 s1, s24;
	[tilespmem:s25+$0xFFFFFFF0] =	vst v63  }
0xcd: {  	[hbm4b:s24+s3] =	stream.linear.scatter [tilespmem:s18], [sflag:$0x6], $0x2000, $0x38;
	[tilespmem:$0x7300] =	vst v63  }
0xce: {  	s22 =	sadd.s32 $0x1, s22  }
0xcf: {  	_ =	swait.ge [sflag:s20], $0x2000;
	p0 =	sne.s32 s22, s12  }
.Ltmp3:
0xd0: {  	[sflag:s20] =	ssyncset.done $0x0;
	(pc) =	sbr.rel @p0 .LBB2_1-.Ltmp3, $4  }
0xd1: {  	[sflag:s20] =	ssyncadd.s32 $0xFFFFE000  }
0xd2: {  	_ =	swait.ge [sflag:s21], $0x2000  }
0xd3: {  	[sflag:s21] =	ssyncset.done $0x0  }
0xd4: {  	[sflag:s21] =	ssyncadd.s32 $0xFFFFE000  }
0xd5: {  	_ =	sfence.sel $0x180000  }
0xd6: {  	[bflag:$0x0] =	sbarrier.arrive $0xFFFF  }
0xd7: {  	p0 =	sne.s32 s2, $0x0;
	_ =	strace $0x90000047  }
0xd8: {  	s0 =	sadd.s32 @!p0 $0x100000, s0;
	[bflag:$0x2] =	sbarrier.arrive $0xFFFF  }
0xd9: {  	[sflag:s0] =	ssyncadd.tile.s32 @!p0 $0x1;
	_ =	shalt  }
.Lfunc_end2:
_tile_overlayer_lowered:
.L_overlay_start_2:
0xda: {  	(tag) =	ssettag $0x2  }
0xdb: {  	s0 =	rddreg [dreg:$0x0];
	s2 =	stileid.u32  }
0xdc: {  	s1 =	rddreg [dreg:$0x1];
	p0 =	sne.s32 s2, $0x0  }
0xdd: {  	s3 =	rddreg [dreg:$0x2];
	[bflag:$0x3] =	sbarrier.arrive $0xFFFF;
	s2 =	simm.s32 @!p0 $0x1C07  }
0xde: {  	[timem:s3], [sflag:s2] =	dma.local @!p0 [hbm:s0], s1  }
0xdf: {  	s0 =	simm.s32 @!p0 $0x7  }
0xe0: {  	_ =	swait.ge @!p0 [sflag:s0], s1  }
0xe1: {  	s1 =	ssub.s32 @!p0 $0x0, s1;
	[sflag:s0] =	ssyncset.done @!p0 $0x0  }
0xe2: {  	[sflag:s0] =	ssyncadd.s32 @!p0 s1  }
0xe3: {  	[bflag:$0x3] =	sbarrier.arrive $0xFFFF  }
0xe4: {  	_ =	shalt  }

// kernel: sparse-core-data-format-call.cloned.1.call-start
scs
called_computation_lowered:
.L_overlay_start_0:
0x0: {  	s2 =	sld [smem:$0x3FD9]  }
0x1: {  	s3 =	sld [smem:$0x3FFE];
	_ =	sdelay $0x1  }
0x2: {  	s1 =	srdreg.scid  }
0x3: {  	s0 =	sand.u32 $0x1, s1  }
0x4: {  	s18 =	sshll.u32 s0, $0xA;
	s2 =	sadd.s32 s3, s2  }
0x5: {  	s2 =	sadd.s32 s2, s18  }
0x6: {  	[smem:$0x3FC6] =	sst s2  }
0x7: {  	_ = 	snop  }
0x8: {  	s2 =	sld [smem:$0x3FD0];
	(tm) =	ssettm $0x1  }
0x9: {  	s19 =	sld [smem:$0x3FFB];
	_ =	sdelay $0x3  }
0xa: {  	_ =	strace s19  }
0xb: {  	s3 =	sld [smem:$0x3FFC];
	_ =	sdelay $0x3  }
0xc: {  	_ =	strace s3  }
0xd: {  	s3 =	sld [smem:$0x3FFD];
	_ =	sdelay $0x3  }
0xe: {  	_ =	strace s3  }
0xf: {  	_ =	strace $0x8FFFFFFF  }
0x10: {  	s20 =	sld [smem:$0x3FDB];
	_ =	sdelay $0x1  }
0x11: {  	s4 =	simm.s32 $_scs_section_size  }
0x12: {  	s5 =	simm.s32 $_size__tile_overlayer_lowered;
	s6 =	simm.s32 $_tile_overlayer_lowered  }
0x13: {  	s23 =	simm.s32 $0x1BFF;
	s22 =	sshll.u32 s6, $0x1;
	s3 =	sadd.s32 s4, s20  }
0x14: {  	s7 =	simm.s32 $0x0;
	s21 =	sshll.u32 s5, $0x1;
	s5 =	sadd.s32 s22, s3  }
0x15: {  	[timem:s7], [sflag:s23] =	dma.local [hbm:s5], s21  }
0x16: {  	_ =	swait.ge [sflag:s23], s21  }
0x17: {  	s4 =	ssub.s32 $0x0, s21;
	[sflag:s23] =	ssyncset.done $0x0  }
0x18: {  	[sflag:s23] =	ssyncadd.s32 s4;
	_ =	sdelay $0x1  }
0x19: {  	s24 =	simm.s32 $0x1B8B  }
0x1a: {  	_ =	swait.ge [sflag:s24], $0x1  }
0x1b: {  	[sflag:s24] =	ssyncset.done $0x0  }
0x1c: {  	s26 =	simm.s32 $0x1B8E;
	s25 =	sld [smem:$0x3FFE];
	[sflag:s24] =	ssyncadd.s32 $0xFFFFFFFF  }
0x1d: {  	s27 =	simm.s32 $execute0_lowered;
	[smem:$0x3FD2] =	sst s26  }
0x1e: {  	s5 =	sshll.u32 s27, $0x1;
	_ =	strace $0x80000049;
	[dreg:$0x1] =	wrdreg $0xFFFFFFFF  }
0x1f: {  	s28 =	simm.s32 $_size_execute0_lowered;
	s3 =	sadd.s32 s3, s5;
	[dreg:$0x0] =	wrdreg $0x0  }
0x20: {  	s5 =	sshll.u32 s28, $0x1;
	[dreg:$0x2] =	wrdreg s3  }
0x21: {  	[dreg:$0x3] =	wrdreg s5  }
0x22: {  	[dreg:$0x4] =	wrdreg $0xC0  }
0x23: {  	_ =	task [dreg:s7], $0x5FFFF  }
0x24: {  	[dreg:$0x1] =	wrdreg $0xFFFFFFFF  }
0x25: {  	[dreg:$0x0] =	wrdreg $0x60  }
0x26: {  	[dreg:$0x2] =	wrdreg s25  }
0x27: {  	[dreg:$0x3] =	wrdreg s2  }
0x28: {  	[dreg:$0x4] =	wrdreg $0x9  }
0x29: {  	_ =	task.clear_ibuf [dreg:s7], $0x5FFFF;
	_ =	strace $0x90000049  }
0x2a: {  	s29 =	simm.s32 $0x9;
	_ =	strace $0x8000004B  }
0x2b: {  	_ =	swait.ge [sflag:s29], $0x1  }
0x2c: {  	[sflag:s29] =	ssyncadd.s32 $0xFFFFFFFF  }
0x2d: {  	_ =	strace $0x9000004B  }
0x2e: {  	_ =	sfence  }
0x2f: {  	s30 =	sld [smem:$0x0];
	_ =	sdelay $0x2  }
0x30: {  	s31 =	sshll.u32 s1, $0xD;
	s1 =	sshrl.u32 s1, $0x2  }
0x31: {  	s3 =	sand.u32 $0x4000, s31;
	s1 =	sadd.s32 s1, s30  }
0x32: {  	s0 =	sor.u32 s3, s0;
	s1 =	sshll.u32 s1, $0x11  }
0x33: {  	s0 =	sor.u32 s1, s0  }
0x34: {  	s0 =	sadd.s32 $0x8F2B, s0  }
0x35: {  	[sflag:s0] =	ssyncadd.remote.s32 $0x1  }
0x36: {  	_ =	sfence.sel $0xFFFF  }
0x37: {  	[dreg:$0x0] =	wrdreg $0xFFFFFFFF;
	(pc) =	sbr.abs _section_cstart, $3  }
0x38: {  	[dreg:$0x1] =	wrdreg $0xFFFFFFFF  }
0x39: {  	_ =	task.clear_ibuf [dreg:s7], $0x2FFFF;
	_ =	strace $0x9FFFFFFF  }
0x3a: {  	(tm) =	ssettm $0x7FFFFFFF  }
0x3b: {  	_ =	shalt  }
tec
execute0_lowered:
.L_overlay_start_1:
0x0: {  	(tag) =	ssettag $0x1  }
0x1: {  	s0 =	srdreg.scid  }
0x2: {  	s1 =	sshll.u32 s0, $0x4  }
0x3: {  	s5 =	rddreg [dreg:$0x0];
	s0 =	stileid.u32;
	s1 =	sand.u32 $0x10, s1  }
0x4: {  	s3 =	rddreg [dreg:$0x1];
	s31 =	simm.s32 $0x2;
	s4 =	sor.u32 s0, s1  }
0x5: {  	s13 =	simm.s32 $0x0;
	s9 =	simm.s32 $0x400;
	s2 =	sshll.u32 s4, $0x7  }
0x6: {  	s10 =	simm.s32 $0x8000;
	s14 =	simm.s32 $0x0;
	s6 =	ssub.s32 $0x1000, s2  }
0x7: {  	s1 =	rddreg [dreg:$0x2];
	_ =	strace $0x8000004A;
	s7 =	sand.u32 $0xF80, s6  }
0x8: {  	s4 =	sshll.u32 s4, $0xB;
	p0 =	sne.s32 s7, $0x0;
	s7 =	simm.s32 $0x1  }
.Ltmp0:
0x9: {  	s6 =	sshrl.u32 s6, $0xC;
	s7 =	simm.s32 @!p0 $0x0;
	(pc) =	sbr.rel .LBB1_1-.Ltmp0, $4  }
0xa: {  	s8 =	sadd.s32 s4, s5;
	s4 =	simm.s32 $0x1;
	s30 =	sadd.s32 s7, s6  }
0xb: {  	s11 =	simm.s32 $0x0;
	[sflag:s4] =	ssyncpa.u1 $0x0;
	s5 =	smul.u32 $0x64, s30  }
0xc: {  	s12 =	simm.s32 $0x0;
	[sflag:s31] =	ssyncpa.u1 $0x0;
	p0 =	por $0x0, $0x0  }
0xd: {  	s6 =	sadd.s32 $0xC00, s8;
	s7 =	sadd.s32 $0x10C00, s8;
	s8 =	sor.u32 $0x1, s5  }
.LBB1_7:
0xe: {  	s15 =	sadd.s32 $0x2, s11  }
0xf: {  	p2 =	sgt.s32 s15, $0xC7  }
0x10: {  	s15 =	simm.s32 @p2 $0x0;
	p2 =	sne.s32 s12, s8  }
.Ltmp1:
0x11: {  	p1 =	slt.u32 s12, $0x2;
	(pc) =	sbr.rel @!p2 .LBB1_8-.Ltmp1, $4  }
0x12: {  	s13 =	simm.s32 @!p1 $0x2  }
0x13: {  	s16 =	sadd.s32 $0x1, s12;
	s14 =	smov.u32 s11;
	_ =	swait.ge @!p1 [sflag:s13], $0x4000  }
0x14: {  	p0 =	por !p0, !p0;
	s12 =	smov.u32 s16;
	[sflag:s13] =	ssyncset.done @!p1 $0x0  }
0x15: {  	s11 =	smov.u32 s15;
	[sflag:s13] =	ssyncadd.s32 @!p1 $0xFFFFC000;
	s13 =	smov.u32 s2  }
.LBB1_1:
0x16: {  	p1 =	sge.u32 s12, s5  }
0x17: {  	s15 =	sxor.u32 @!p1 $0xFFFFFFFF, s12  }
0x18: {  	s16 =	sshll.u32 @!p1 s11, $0x10;
	s18 =	simm.s32 @!p1 $0x40;
	s15 =	sshll.u32 @!p1 s15, $0xE  }
0x19: {  	s19 =	simm.s32 @!p1 $0x80;
	s17 =	sadd.s32 @!p1 s16, s6;
	s15 =	sand.u32 @!p1 $0x4000, s15  }
0x1a: {  	[tilespmem:s15], [sflag:$0x1] =	stream.strided.gather @!p1 [hbm4b:s17+s18], $0x2000, s19, s18, $0x38;
	[tilespmem:$0x10100] =	vst v63  }
0x1b: {  	s31 =	sadd.s32 $0xFFFFFFFF, s12;
	s16 =	sadd.s32 @!p1 s16, s7;
	s15 =	sor.u32 @!p1 $0x2000, s15  }
0x1c: {  	[tilespmem:s15], [sflag:$0x1] =	stream.strided.gather @!p1 [hbm4b:s16+s18], $0x2000, s19, s18, $0x38;
	[tilespmem:$0x10100] =	vst v63  }
0x1d: {  	p1 =	sge.u32 s31, s5  }
.Ltmp2:
0x1e: {  	_ = 	snop;
	(pc) =	sbr.rel @p1 .LBB1_7-.Ltmp2, $1  }
0x1f: {  	_ =	sdelay $0x3  }
0x20: {  	s15 =	simm.s32 $0x1;
	s17 =	sand.u32 $0x1, s12  }
0x21: {  	_ =	swait.ge [sflag:s4], $0x4000;
	s15 =	simm.s32 @!p0 $0x0;
	s17 =	smul.u32 $0x10200, s17  }
0x22: {  	p2 =	por $0x1, $0x1;
	[sflag:s4] =	ssyncset.done $0x0;
	s16 =	smul.u32 $0x10200, s15  }
0x23: {  	s18 =	sshll.u32 s15, $0x10;
	[sflag:s4] =	ssyncadd.s32 $0xFFFFC000;
	s30 =	sshrl.u32 s17, $0x2  }
0x24: {  	s31 =	sshrl.u32 s18, $0x2;
	s18 =	simm.s32 $0x0;
	s16 =	sshrl.u32 s16, $0x2  }
0x25: {  	s15 =	sor.u32 $0x8000, s30;
	s17 =	sadd.s32 $0x20, s31;
	s16 =	sor.u32 $0x8000, s16  }
.LBB1_3:
0x26: {  	s19 =	sshll.u32 s18, $0xD  }
0x27: {  	s19 =	sand.u32 $0x3FFFE000, s19  }
0x28: {  	s21 =	sadd.s32 s19, s17  }
0x29: {  	s31 =	smul.u32 $0x8100, s18;
	v3 =	vld [tilespmem:s21+$0x10]  }
0x2a: {  	v1 =	vld [tilespmem:s21+$0xFFFFFFF0]  }
0x2b: {  	s18 =	sshra.s32 s31, $0x2;
	v0 =	vld [tilespmem:s21+$0x0]  }
0x2c: {  	s18 =	sadd.s32 s18, s16;
	v2 =	vld [tilespmem:s21+$0xFFFFFFE0]  }
0x2d: {  	s19 =	sadd.s32 $0x0, s18  }
0x2e: {  	p1 =	por p2, p2;
	s20 =	simm.s32 $0x4;
	s21 =	sadd.s32 $0x40, s21;
	[tilespmem:s19+$0x1830 ss:$0x81] =	vst.msk $0xffff, v3  }
.LBB1_4:
0x2f: {  	v3 =	vld [tilespmem:s21+$0x10];
	p2 =	sne.s32 s20, $0x1FC;
	[tilespmem:s19+$0x810 ss:$0x81] =	vst.msk $0xffff, v1;
	s22 =	smov.u32 s20;
	s20 =	sadd.s32 $0x4, s20  }
.Ltmp3:
0x30: {  	v1 =	vld [tilespmem:s21+$0xFFFFFFF0];
	[tilespmem:s19+$0x1020 ss:$0x81] =	vst.msk $0xffff, v0;
	(pc) =	sbr.rel @p2 .LBB1_4-.Ltmp3, $4  }
0x31: {  	v0 =	vld [tilespmem:s21+$0x0];
	[tilespmem:s19+$0x0 ss:$0x81] =	vst.msk $0xffff, v2  }
0x32: {  	s19 =	sshra.s32 s22, $0x2;
	v2 =	vld [tilespmem:s21+$0xFFFFFFE0]  }
0x33: {  	s19 =	sadd.s32 s19, s18  }
0x34: {  	s21 =	sadd.s32 $0x40, s21;
	[tilespmem:s19+$0x1830 ss:$0x81] =	vst.msk $0xffff, v3  }
.Ltmp4:
0x35: {  	(pc) =	sbr.rel @p1 .LBB1_3-.Ltmp4, $4  }
0x36: {  	_ = 	snop  }
0x37: {  	[tilespmem:s19+$0x810 ss:$0x81] =	vst.msk $0xffff, v1  }
0x38: {  	[tilespmem:s19+$0x1020 ss:$0x81] =	vst.msk $0xffff, v0  }
0x39: {  	s18 =	simm.s32 $0x1;
	p2 =	por $0x0, $0x0;
	[tilespmem:s19+$0x0 ss:$0x81] =	vst.msk $0xffff, v2  }
.Ltmp5:
0x3a: {  	(pc) =	sbr.rel .LBB1_7-.Ltmp5, $4  }
0x3b: {  	s14 =	sshll.u32 s14, $0xF  }
0x3c: {  	s14 =	sadd.s32 s3, s14  }
0x3d: {  	s13 =	sadd.s32 s13, s14  }
0x3e: {  	[hbm4b:s13+s9] =	stream.strided.scatter [tilespmem:s15], [sflag:$0x2], $0x4000, s10, s9, $0x20;
	[tilespmem:$0x10100] =	vst v63  }
.LBB1_8:
0x3f: {  	_ =	sfence.sel $0x180000  }
0x40: {  	s2 =	simm.s32 $0x1;
	[bflag:$0x0] =	sbarrier.arrive $0xFFFF  }
0x41: {  	s31 =	simm.s32 $0x2;
	[sflag:s2] =	ssyncpa.u1 $0x1  }
0x42: {  	[sflag:s31] =	ssyncpa.u1 $0x1  }
0x43: {  	p0 =	sne.s32 s0, $0x0;
	_ =	strace $0x9000004A  }
0x44: {  	s0 =	sadd.s32 @!p0 $0x100000, s1;
	[bflag:$0x2] =	sbarrier.arrive $0xFFFF  }
0x45: {  	[sflag:s0] =	ssyncadd.tile.s32 @!p0 $0x1;
	_ =	shalt  }
.Lfunc_end1:
_tile_overlayer_lowered:
.L_overlay_start_2:
0x46: {  	(tag) =	ssettag $0x2  }
0x47: {  	s0 =	rddreg [dreg:$0x0];
	s2 =	stileid.u32  }
0x48: {  	s1 =	rddreg [dreg:$0x1];
	p0 =	sne.s32 s2, $0x0  }
0x49: {  	s3 =	rddreg [dreg:$0x2];
	[bflag:$0x3] =	sbarrier.arrive $0xFFFF;
	s2 =	simm.s32 @!p0 $0x1C01  }
0x4a: {  	[timem:s3], [sflag:s2] =	dma.local @!p0 [hbm:s0], s1  }
0x4b: {  	s0 =	simm.s32 @!p0 $0x1  }
0x4c: {  	_ =	swait.ge @!p0 [sflag:s0], s1  }
0x4d: {  	s1 =	ssub.s32 @!p0 $0x0, s1;
	[sflag:s0] =	ssyncset.done @!p0 $0x0  }
0x4e: {  	[sflag:s0] =	ssyncadd.s32 @!p0 s1  }
0x4f: {  	[bflag:$0x3] =	sbarrier.arrive $0xFFFF  }
0x50: {  	_ =	shalt  }

</sc_bundles>
